<compile_context>
chip_gen: v7x
topology: tpu7x:2x2x1
jax: 0.10.2.dev20260603
libtpu: 0.0.44.dev20260713+nightly
codegen_flags: <defaults>
</compile_context>

<pallas_src>
import functools

import jax
import jax.numpy as jnp
import numpy as np
from jax import lax
from jax.experimental import pallas as pl
from jax.experimental.pallas import tpu as pltpu
from jax.experimental.pallas import tpu_sc as plsc

N = 10000
E = 320000
SH = 9
FC = 100
H = 32
MAXR = 5.0
INV_SQRT_NEIGH = 1.0 / np.sqrt(32.0)

NC = 2
NS = 16
NW = NC * NS
NPAD = 112
N16 = N + NPAD
EPW = 80 * 128
EPAD = NW * EPW
C16 = EPW // 16
C128 = EPW // 128
RPS = N16 // NS

TCB = 2048
NB_E = EPAD // TCB
TCN = 1024
NB_N = (N16 + TCN - 1) // TCN

f32 = jnp.float32
i32 = jnp.int32


@functools.lru_cache(maxsize=None)
def _mesh():
    return plsc.VectorSubcoreMesh(
        core_axis_name="c", subcore_axis_name="s",
        num_cores=NC, num_subcores=NS)


def _sc_edge_vec_body(posx, posy, posz, srcr, dstr, ev, px, py, pz,
                      sbuf, dbuf, ex, ey, ez):
    wid = lax.axis_index("c") * NS + lax.axis_index("s")
    pltpu.sync_copy(posx, px)
    pltpu.sync_copy(posy, py)
    pltpu.sync_copy(posz, pz)
    pltpu.sync_copy(srcr.at[wid], sbuf)
    pltpu.sync_copy(dstr.at[wid], dbuf)

    def body(i, carry):
        o = i * 16
        s = sbuf[pl.ds(o, 16)]
        t = dbuf[pl.ds(o, 16)]
        ex[pl.ds(o, 16)] = plsc.load_gather(px, [s]) - plsc.load_gather(px, [t])
        ey[pl.ds(o, 16)] = plsc.load_gather(py, [s]) - plsc.load_gather(py, [t])
        ez[pl.ds(o, 16)] = plsc.load_gather(pz, [s]) - plsc.load_gather(pz, [t])
        return carry

    lax.fori_loop(0, C16, body, 0)
    ebase = pl.multiple_of(wid * EPW, 128)
    pltpu.sync_copy(ex, ev.at[0, pl.ds(ebase, EPW)])
    pltpu.sync_copy(ey, ev.at[1, pl.ds(ebase, EPW)])
    pltpu.sync_copy(ez, ev.at[2, pl.ds(ebase, EPW)])


@functools.lru_cache(maxsize=None)
def _sc_edge_vec_kernel():
    return pl.kernel(
        _sc_edge_vec_body,
        out_type=jax.ShapeDtypeStruct((3, EPAD), f32),
        mesh=_mesh(),
        compiler_params=pltpu.CompilerParams(needs_layout_passes=False, use_tc_tiling_on_sc=False),
        scratch_types=[
            pltpu.VMEM((N16,), f32),
            pltpu.VMEM((N16,), f32),
            pltpu.VMEM((N16,), f32),
            pltpu.VMEM((EPW,), i32),
            pltpu.VMEM((EPW,), i32),
            pltpu.VMEM((EPW,), f32),
            pltpu.VMEM((EPW,), f32),
            pltpu.VMEM((EPW,), f32),
        ],
    )


def _sc_scatter2_body(callr, dstr, srcr, p0, s2, acc0, acc2, dstb, srcb,
                      mbuf0, cbuf0, mbuf1, cbuf1, zbuf, sem0, sem1):
    c = lax.axis_index("c")
    s = lax.axis_index("s")
    wid = c * NS + s
    z16 = jnp.zeros((16,), f32)

    def zbody(j, carry):
        zbuf[j, pl.ds(0, 16)] = z16
        zbuf[j, pl.ds(16, 16)] = z16
        return carry

    lax.fori_loop(0, RPS, zbody, 0)
    pltpu.sync_copy(zbuf, acc0.at[pl.ds(s * RPS, RPS)])
    pltpu.sync_copy(zbuf, acc2.at[pl.ds(s * RPS, RPS)])
    crow = pl.multiple_of(wid * C128, 8)
    pltpu.sync_copy(dstr.at[pl.ds(crow, C128)], dstb)
    pltpu.sync_copy(srcr.at[pl.ds(crow, C128)], srcb)

    def start(j, mb, cb, sem):
        base = pl.multiple_of(wid * EPW + j * 128, 128)
        pltpu.async_copy(callr.at[pl.ds(base, 128), pl.ds(0, H)], mb, sem)
        pltpu.async_copy(callr.at[pl.ds(base, 128), pl.ds(2 * H, H)], cb, sem)

    def wait(mb, cb, sem):
        pltpu.make_async_copy(callr.at[pl.ds(0, 128), pl.ds(0, H)], mb,
                              sem).wait()
        pltpu.make_async_copy(callr.at[pl.ds(0, 128), pl.ds(0, H)], cb,
                              sem).wait()

    start(0, mbuf0, cbuf0, sem0)
    plsc.subcore_barrier()

    def body(jo, carry):
        a = 2 * jo
        start(a + 1, mbuf1, cbuf1, sem1)
        wait(mbuf0, cbuf0, sem0)
        pltpu.sync_copy(mbuf0, acc0.at[dstb.at[a]], add=True)
        pltpu.sync_copy(cbuf0, acc2.at[srcb.at[a]], add=True)

        @pl.when(jo < C128 // 2 - 1)
        def _():
            start(a + 2, mbuf0, cbuf0, sem0)

        wait(mbuf1, cbuf1, sem1)
        pltpu.sync_copy(mbuf1, acc0.at[dstb.at[a + 1]], add=True)
        pltpu.sync_copy(cbuf1, acc2.at[srcb.at[a + 1]], add=True)
        return carry

    lax.fori_loop(0, C128 // 2, body, 0)
    plsc.subcore_barrier()
    pltpu.sync_copy(acc0.at[pl.ds(s * RPS, RPS)], zbuf)
    pltpu.sync_copy(zbuf, p0.at[c, pl.ds(s * RPS, RPS)])
    pltpu.sync_copy(acc2.at[pl.ds(s * RPS, RPS)], zbuf)
    pltpu.sync_copy(zbuf, s2.at[c, pl.ds(s * RPS, RPS)])


@functools.lru_cache(maxsize=None)
def _sc_scatter2_kernel():
    return pl.kernel(
        _sc_scatter2_body,
        out_type=(
            jax.ShapeDtypeStruct((NC, N16, H), f32),
            jax.ShapeDtypeStruct((NC, N16, H), f32),
        ),
        mesh=_mesh(),
        compiler_params=pltpu.CompilerParams(needs_layout_passes=False, use_tc_tiling_on_sc=False),
        scratch_types=[
            pltpu.VMEM_SHARED((N16, H), f32),
            pltpu.VMEM_SHARED((N16, H), f32),
            pltpu.VMEM((C128, 128), i32),
            pltpu.VMEM((C128, 128), i32),
            pltpu.VMEM((128, H), f32),
            pltpu.VMEM((128, H), f32),
            pltpu.VMEM((128, H), f32),
            pltpu.VMEM((128, H), f32),
            pltpu.VMEM((RPS, H), f32),
            pltpu.SemaphoreType.DMA,
            pltpu.SemaphoreType.DMA,
        ],
    )


def _sc_gather_mul_scatter_body(y1, callr, srcr, dstr, p1, acc, srcb,
                                dstb, rows0, cbuf0, rows1, cbuf1, zbuf,
                                sem0, sem1):
    c = lax.axis_index("c")
    s = lax.axis_index("s")
    wid = c * NS + s
    z16 = jnp.zeros((16,), f32)
    nrow = pl.multiple_of(s * RPS, 8)

    def zbody(j, carry):
        zbuf[j, pl.ds(0, 16)] = z16
        zbuf[j, pl.ds(16, 16)] = z16
        return carry

    lax.fori_loop(0, RPS, zbody, 0)
    pltpu.sync_copy(zbuf, acc.at[pl.ds(nrow, RPS)])
    crow = pl.multiple_of(wid * C128, 8)
    pltpu.sync_copy(srcr.at[pl.ds(crow, C128)], srcb)
    pltpu.sync_copy(dstr.at[pl.ds(crow, C128)], dstb)

    def start(j, rb, cb, sem):
        base = pl.multiple_of(wid * EPW + j * 128, 128)
        pltpu.async_copy(y1.at[srcb.at[j]], rb, sem)
        pltpu.async_copy(callr.at[pl.ds(base, 128), pl.ds(H, H)], cb, sem)

    def wait_mul(rb, cb, sem):
        pltpu.make_async_copy(callr.at[pl.ds(0, 128), pl.ds(0, H)], rb,
                              sem).wait()
        pltpu.make_async_copy(callr.at[pl.ds(0, 128), pl.ds(0, H)], cb,
                              sem).wait()

        def mbody(r, carry):
            rb[r, pl.ds(0, 16)] = rb[r, pl.ds(0, 16)] * cb[r, pl.ds(0, 16)]
            rb[r, pl.ds(16, 16)] = rb[r, pl.ds(16, 16)] * cb[r, pl.ds(16, 16)]
            return carry

        lax.fori_loop(0, 128, mbody, 0)

    plsc.subcore_barrier()
    start(0, rows0, cbuf0, sem0)

    def body(jo, carry):
        a = 2 * jo
        start(a + 1, rows1, cbuf1, sem1)
        wait_mul(rows0, cbuf0, sem0)
        pltpu.sync_copy(rows0, acc.at[dstb.at[a]], add=True)

        @pl.when(jo < C128 // 2 - 1)
        def _():
            start(a + 2, rows0, cbuf0, sem0)

        wait_mul(rows1, cbuf1, sem1)
        pltpu.sync_copy(rows1, acc.at[dstb.at[a + 1]], add=True)
        return carry

    lax.fori_loop(0, C128 // 2, body, 0)
    plsc.subcore_barrier()
    pltpu.sync_copy(acc.at[pl.ds(s * RPS, RPS)], zbuf)
    pltpu.sync_copy(zbuf, p1.at[c, pl.ds(s * RPS, RPS)])


@functools.lru_cache(maxsize=None)
def _sc_gather_mul_scatter_kernel():
    return pl.kernel(
        _sc_gather_mul_scatter_body,
        out_type=jax.ShapeDtypeStruct((NC, N16, H), f32),
        mesh=_mesh(),
        compiler_params=pltpu.CompilerParams(needs_layout_passes=False, use_tc_tiling_on_sc=False),
        scratch_types=[
            pltpu.VMEM_SHARED((N16, H), f32),
            pltpu.VMEM((C128, 128), i32),
            pltpu.VMEM((C128, 128), i32),
            pltpu.VMEM((128, H), f32),
            pltpu.VMEM((128, H), f32),
            pltpu.VMEM((128, H), f32),
            pltpu.VMEM((128, H), f32),
            pltpu.VMEM((RPS, H), f32),
            pltpu.SemaphoreType.DMA,
            pltpu.SemaphoreType.DMA,
        ],
    )


def _tc_edge_body(ev_ref, wf1_ref, bf1_ref, wf2_ref, wsh_ref, ws0_ref,
                  call_ref):
    x = ev_ref[0:1, :]
    y = ev_ref[1:2, :]
    z = ev_ref[2:3, :]
    d = jnp.sqrt(x * x + y * y + z * z)
    rinv = 1.0 / (d + 1e-9)
    nx = x * rinv
    ny = y * rinv
    nz = z * rinv
    s3 = np.sqrt(3.0).astype(np.float32)
    s15 = np.sqrt(15.0).astype(np.float32)
    s5 = np.sqrt(5.0).astype(np.float32)
    u = jnp.clip(d * (1.0 / MAXR), 0.0, 1.0)
    xx = np.float32(0.5 * np.pi) * u
    x2 = xx * xx
    emb = 1.0 + x2 * (np.float32(-1 / 2) + x2 * (np.float32(1 / 24) + x2 * (
        np.float32(-1 / 720) + x2 * (np.float32(1 / 40320)
                                     + x2 * np.float32(-1 / 3628800)))))
    geomT = jnp.concatenate([
        jnp.ones_like(nx), s3 * nx, s3 * ny, s3 * nz,
        s15 * nx * ny, s15 * ny * nz, 0.5 * s5 * (3.0 * nz * nz - 1.0),
        s15 * nx * nz, 0.5 * s15 * (nx * nx - ny * ny),
        emb], axis=0)
    geom = geomT.T
    sh = geom[:, 0:SH]
    embc = geom[:, SH:SH + 1]
    hid = jnp.maximum(embc * wf1_ref[...] + bf1_ref[...], 0.0)
    w_all = jnp.dot(hid, wf2_ref[...], preferred_element_type=f32)
    csh_all = jnp.dot(sh, wsh_ref[...], preferred_element_type=f32)
    call_ref[:, pl.ds(0, 3 * H)] = csh_all * w_all


def _tc_edge_feats(ev, wf1, bf1, wf2, wsh, ws0):
    full = lambda shape: pl.BlockSpec(shape, lambda b: (0,) * len(shape))
    return pl.pallas_call(
        _tc_edge_body,
        grid=(NB_E,),
        in_specs=[
            pl.BlockSpec((3, TCB), lambda b: (0, b)),
            full((1, 3 * FC)),
            full((1, 3 * FC)),
            full((3 * FC, 3 * H)),
            full((SH, 3 * H)),
            full((1, H)),
        ],
        out_specs=pl.BlockSpec((TCB, 128), lambda b: (b, 0)),
        out_shape=jax.ShapeDtypeStruct((EPAD, 128), f32),
    )(ev, wf1, bf1, wf2, wsh, ws0)


def _tc_layer1_body(p0_ref, na_ref, wo0a_ref, wo0b_ref, wo0c_ref, ws1_ref,
                    x1_ref, y1_ref):
    agg = p0_ref[0] + p0_ref[1]
    x1 = jnp.tanh(jnp.dot(agg, wo0a_ref[...]) + wo0b_ref[...]
                  + na_ref[...] * wo0c_ref[...])
    x1_ref[...] = x1
    y1_ref[...] = jnp.dot(x1, ws1_ref[...])


def _tc_layer1(p0, na, wo0a, wo0b, wo0c, ws1):
    full = lambda shape: pl.BlockSpec(shape, lambda b: (0,) * len(shape))
    return pl.pallas_call(
        _tc_layer1_body,
        grid=(NB_N,),
        in_specs=[
            pl.BlockSpec((NC, TCN, H), lambda b: (0, b, 0)),
            pl.BlockSpec((TCN, 1), lambda b: (b, 0)),
            full((H, 64)),
            full((1, 64)),
            full((1, 64)),
            full((64, H)),
        ],
        out_specs=[
            pl.BlockSpec((TCN, 64), lambda b: (b, 0)),
            pl.BlockSpec((TCN, H), lambda b: (b, 0)),
        ],
        out_shape=[
            jax.ShapeDtypeStruct((N16, 64), f32),
            jax.ShapeDtypeStruct((N16, H), f32),
        ],
    )(p0, na, wo0a, wo0b, wo0c, ws1)


def _tc_final_body(p1_ref, s2_ref, x1_ref, na_ref, wo1a_ref, wo1b_ref,
                   wo1c_ref, ws2_ref, wo2a_ref, wo2b_ref, wo2c_ref,
                   t_ref, sx2_ref, sna_ref, out_ref):
    b = pl.program_id(0)
    agg1 = p1_ref[0] + p1_ref[1]
    x2 = jnp.tanh(jnp.dot(agg1, wo1a_ref[...])
                  + jnp.dot(x1_ref[...], wo1b_ref[...])
                  + na_ref[...] * wo1c_ref[...])
    rows = lax.broadcasted_iota(i32, (TCN, 1), 0) + b * TCN
    mask = rows < N
    x2m = jnp.where(mask, x2, 0.0)
    sb = jnp.where(mask, s2_ref[0] + s2_ref[1], 0.0)
    tb = lax.dot_general(x2m, sb, (((0,), (0,)), ((), ())))
    sx2b = jnp.sum(x2m, axis=0, keepdims=True)
    snab = jnp.sum(jnp.where(mask, na_ref[...], 0.0), axis=0,
                   keepdims=True)

    @pl.when(b == 0)
    def _():
        t_ref[...] = tb
        sx2_ref[...] = sx2b
        sna_ref[...] = snab

    @pl.when(b > 0)
    def _():
        t_ref[...] = t_ref[...] + tb
        sx2_ref[...] = sx2_ref[...] + sx2b
        sna_ref[...] = sna_ref[...] + snab

    @pl.when(b == NB_N - 1)
    def _():
        sumagg2 = jnp.sum(ws2_ref[...] * t_ref[...], axis=0,
                          keepdims=True)
        out_ref[...] = (jnp.dot(sumagg2, wo2a_ref[...])
                        + jnp.dot(sx2_ref[...], wo2b_ref[...])
                        + sna_ref[...] * wo2c_ref[...]) * np.float32(
                            1.0 / np.sqrt(float(N)))


def _tc_final(p1, s2, x1, na, wo1a, wo1b, wo1c, ws2, wo2a, wo2b, wo2c):
    full = lambda shape: pl.BlockSpec(shape, lambda b: (0,) * len(shape))
    outs = pl.pallas_call(
        _tc_final_body,
        grid=(NB_N,),
        in_specs=[
            pl.BlockSpec((NC, TCN, H), lambda b: (0, b, 0)),
            pl.BlockSpec((NC, TCN, H), lambda b: (0, b, 0)),
            pl.BlockSpec((TCN, 64), lambda b: (b, 0)),
            pl.BlockSpec((TCN, 1), lambda b: (b, 0)),
            full((H, 64)),
            full((64, 64)),
            full((1, 64)),
            full((64, H)),
            full((H, 1)),
            full((64, 1)),
            full((1, 1)),
        ],
        out_specs=[full((64, H)), full((1, 64)), full((1, 1)), full((1, 1))],
        out_shape=[
            jax.ShapeDtypeStruct((64, H), f32),
            jax.ShapeDtypeStruct((1, 64), f32),
            jax.ShapeDtypeStruct((1, 1), f32),
            jax.ShapeDtypeStruct((1, 1), f32),
        ],
    )(p1, s2, x1, na, wo1a, wo1b, wo1c, ws2, wo2a, wo2b, wo2c)
    return outs[3]


def kernel(pos, node_attr, edge_index, Wf1_0, bf1_0, Wf2_0, Ws_0, Wsh_0, Wo_0,
           Wf1_1, bf1_1, Wf2_1, Ws_1, Wsh_1, Wo_1, Wf1_2, bf1_2, Wf2_2, Ws_2,
           Wsh_2, Wo_2):
    pos = pos.astype(f32)
    node_attr = node_attr.astype(f32)
    src = edge_index[0].astype(i32)
    dst = edge_index[1].astype(i32)
    padidx = jnp.full((EPAD - E,), N, i32)
    src_p = jnp.concatenate([src, padidx])
    dst_p = jnp.concatenate([dst, padidx])
    pos_p = jnp.concatenate([pos, jnp.zeros((NPAD, 3), f32)], axis=0)
    na_p = jnp.concatenate([node_attr, jnp.zeros((NPAD, 1), f32)], axis=0)

    wf1 = jnp.concatenate([Wf1_0, Wf1_1, Wf1_2], axis=1)
    bf1 = jnp.concatenate([bf1_0, bf1_1, bf1_2]).reshape(1, 3 * FC)
    z = jnp.zeros((FC, H), f32)
    wf2 = jnp.concatenate([
        jnp.concatenate([Wf2_0, z, z], axis=1),
        jnp.concatenate([z, Wf2_1, z], axis=1),
        jnp.concatenate([z, z, Wf2_2], axis=1)], axis=0)
    sc = np.float32(INV_SQRT_NEIGH)
    wsh = jnp.concatenate([Wsh_0 * (Ws_0[0:1] * sc), Wsh_1 * sc,
                           Wsh_2 * sc], axis=1)
    ws0 = Ws_0[0:1]

    ev = _sc_edge_vec_kernel()(pos_p[:, 0], pos_p[:, 1], pos_p[:, 2],
                               src_p.reshape(NW, EPW), dst_p.reshape(NW, EPW))
    call = _tc_edge_feats(ev, wf1, bf1, wf2, wsh, ws0)

    src_r = src_p.reshape(NW * C128, 128)
    dst_r = dst_p.reshape(NW * C128, 128)
    p0, s2 = _sc_scatter2_kernel()(call, dst_r, src_r)

    x1, y1 = _tc_layer1(p0, na_p, Wo_0[:H], Wo_0[H:H + 1], Wo_0[H + 18:H + 19],
                        Ws_1)

    p1 = _sc_gather_mul_scatter_kernel()(y1, call, src_r, dst_r)

    return _tc_final(p1, s2, x1, na_p, Wo_1[:H], Wo_1[H:H + 64],
                     Wo_1[H + 64:H + 65], Ws_2, Wo_2[:H], Wo_2[H:H + 64],
                     Wo_2[H + 64:H + 65])

# --- scband reference (transcript-rebuilt; emitter-appended) ---
"""Pipeline reference for scband-network-for-agraph-with-attributes-51608327029024 (READ-ONLY COPY).

The authoritative reference and input builder live on the scoring server;
editing this copy changes nothing except your own understanding.
"""

import jax, jax.numpy as jnp
import numpy as np

N = 10000
E = 320000
ATTR = 1
SH = 9
FC = 100
H = 32
MAXR = 5.0
NUM_NEIGH = 32.0
DIMS = [18, 64, 64, 1]
LAYERS = 3


def _sph(n):
    x, y, z = n[:, 0], n[:, 1], n[:, 2]
    s3 = np.sqrt(3.0)
    s15 = np.sqrt(15.0)
    s5 = np.sqrt(5.0)
    y0 = jnp.ones_like(x)[:, None]
    y1 = jnp.stack([s3 * x, s3 * y, s3 * z], axis=1)
    y2 = jnp.stack([s15 * x * y, s15 * y * z, 0.5 * s5 * (3.0 * z * z - 1.0), s15 * x * z, 0.5 * s15 * (x * x - y * y)], axis=1)
    return jnp.concatenate([y0, y1, y2], axis=1)


def setup_inputs(seed: int = 0):
    key = jax.random.key(seed)
    ks = jax.random.split(key, 8)
    inp = {}
    inp["pos"] = jax.random.normal(ks[0], (N, 3), dtype=jnp.float32)
    inp["node_attr"] = jax.random.normal(ks[1], (N, ATTR), dtype=jnp.float32)
    inp["edge_index"] = jax.random.randint(ks[2], (2, E), 0, N)
    for i in range(LAYERS):
        din, dout = DIMS[i], DIMS[i + 1]
        k = jax.random.split(ks[3 + i], 6)
        inp[f"Wf1_{i}"] = jax.random.normal(k[0], (1, FC), dtype=jnp.float32) * 0.3
        inp[f"bf1_{i}"] = jnp.zeros((FC,), dtype=jnp.float32)
        inp[f"Wf2_{i}"] = jax.random.normal(k[1], (FC, H), dtype=jnp.float32) * (1.0 / np.sqrt(FC))
        inp[f"Ws_{i}"] = jax.random.normal(k[2], (din, H), dtype=jnp.float32) * (1.0 / np.sqrt(din))
        inp[f"Wsh_{i}"] = jax.random.normal(k[3], (SH, H), dtype=jnp.float32) * (1.0 / np.sqrt(SH))
        inp[f"Wo_{i}"] = jax.random.normal(k[4], (H + din + ATTR, dout), dtype=jnp.float32) * (1.0 / np.sqrt(H + din + ATTR))
    return inp


def _forward(pos, node_attr, edge_index, params):
    src = edge_index[0]
    dst = edge_index[1]
    edge_vec = pos[src] - pos[dst]
    d = jnp.linalg.norm(edge_vec, axis=1)
    nvec = edge_vec / (d[:, None] + 1e-9)
    edge_sh = _sph(nvec)
    u = jnp.clip(d / MAXR, 0.0, 1.0)
    emb = jnp.cos(0.5 * np.pi * u)[:, None]
    x = jnp.zeros((pos.shape[0], DIMS[0]), dtype=pos.dtype).at[:, 0].set(1.0)
    for i in range(LAYERS):
        Wf1, bf1, Wf2, Ws, Wsh, Wo = params[i]
        w = jax.nn.relu(emb @ Wf1 + bf1) @ Wf2
        m = (x[src] @ Ws) * (edge_sh @ Wsh) * w
        agg = jnp.zeros((pos.shape[0], H), dtype=pos.dtype).at[dst].add(m) / np.sqrt(NUM_NEIGH)
        x = jnp.concatenate([agg, x, node_attr], axis=1) @ Wo
        if i < LAYERS - 1:
            x = jnp.tanh(x)
    batch = jnp.zeros((pos.shape[0],), dtype=jnp.int32)
    pooled = jax.ops.segment_sum(x, batch, num_segments=1)
    return pooled / np.sqrt(float(N))


def reference(pos, node_attr, edge_index, Wf1_0, bf1_0, Wf2_0, Ws_0, Wsh_0, Wo_0, Wf1_1, bf1_1, Wf2_1, Ws_1, Wsh_1, Wo_1, Wf1_2, bf1_2, Wf2_2, Ws_2, Wsh_2, Wo_2):
    params = [
        (Wf1_0, bf1_0, Wf2_0, Ws_0, Wsh_0, Wo_0),
        (Wf1_1, bf1_1, Wf2_1, Ws_1, Wsh_1, Wo_1),
        (Wf1_2, bf1_2, Wf2_2, Ws_2, Wsh_2, Wo_2),
    ]
    return _forward(pos, node_attr, edge_index, params)

if __name__ == "__main__":
    import jax
    _d = setup_inputs()
    print(jax.jit(kernel)(*tuple(_d.values())))

</pallas_src>

<mosaic_0001>
#map = affine_map<(d0, d1) -> (0, 0)>
#map1 = affine_map<(d0, d1) -> (0, 0, 0)>
module attributes {stable_mosaic.version = 14 : i64} {
  func.func @_sc_scatter2_body(%arg0: i32, %arg1: i32, %arg2: memref<327680x128xf32, #tpu.memory_space<hbm>>, %arg3: memref<2560x128xi32, #tpu.memory_space<hbm>>, %arg4: memref<2560x128xi32, #tpu.memory_space<hbm>>, %arg5: memref<2x10112x32xf32, #tpu.memory_space<hbm>>, %arg6: memref<2x10112x32xf32, #tpu.memory_space<hbm>>, %arg7: memref<10112x32xf32, #tpu.memory_space<vmem_shared>>, %arg8: memref<10112x32xf32, #tpu.memory_space<vmem_shared>>, %arg9: memref<80x128xi32, #tpu.memory_space<vmem>>, %arg10: memref<80x128xi32, #tpu.memory_space<vmem>>, %arg11: memref<128x32xf32, #tpu.memory_space<vmem>>, %arg12: memref<128x32xf32, #tpu.memory_space<vmem>>, %arg13: memref<128x32xf32, #tpu.memory_space<vmem>>, %arg14: memref<128x32xf32, #tpu.memory_space<vmem>>, %arg15: memref<632x32xf32, #tpu.memory_space<vmem>>, %arg16: memref<!tpu.dma_semaphore, #tpu.memory_space<semaphore_mem>>, %arg17: memref<!tpu.dma_semaphore, #tpu.memory_space<semaphore_mem>>) attributes {dimension_semantics = [#tpu.dimension_semantics<core_parallel>, #tpu.dimension_semantics<subcore_parallel>], iteration_bounds = array<i64: 2, 16>, scalar_prefetch = 0 : i64, scratch_operands = 11 : i64, tpu.core_type = #tpu.core_type<sc_vector_subcore>, window_params = [{transform_indices = #map}, {transform_indices = #map}, {transform_indices = #map}, {transform_indices = #map1}, {transform_indices = #map1}]} {
    %mul3A = arith.constant 16 : i32
    %mul3A_0 = arith.muli %arg0, %mul3A : i32
    %add3A = arith.addi %mul3A_0, %arg1 : i32
    %broadcast_in_dim3A = arith.constant 0.000000e+00 : f32
    %broadcast_in_dim3A_1 = vector.broadcast %broadcast_in_dim3A : f32 to vector<16xf32>
    %scan3A = arith.constant 0 : i32
    %scan3A_2 = arith.constant 0 : i32
    %scan3A_3 = arith.constant 632 : i32
    %scan3A_4 = arith.addi %scan3A_2, %scan3A_3 : i32
    %scan3A_5 = arith.constant 1 : i32
    scf.for %scan3A_40 = %scan3A_2 to %scan3A_4 step %scan3A_5  : i32 {
      %swap3A = arith.index_cast %scan3A_40 : i32 to index
      %swap3A_41 = arith.constant 0 : index
      %swap3A_42 = tpu.vector_load %arg15[%swap3A, %swap3A_41] {strides = array<i32>} : memref<632x32xf32, #tpu.memory_space<vmem>>, vector<16xf32>,
      tpu.vector_store %arg15[%swap3A, %swap3A_41], %broadcast_in_dim3A_1 {strides = array<i32>} : memref<632x32xf32, #tpu.memory_space<vmem>>, vector<16xf32>,
      %swap3A_43 = arith.index_cast %scan3A_40 : i32 to index
      %swap3A_44 = arith.constant 16 : index
      %swap3A_45 = tpu.vector_load %arg15[%swap3A_43, %swap3A_44] {strides = array<i32>} : memref<632x32xf32, #tpu.memory_space<vmem>>, vector<16xf32>,
      tpu.vector_store %arg15[%swap3A_43, %swap3A_44], %broadcast_in_dim3A_1 {strides = array<i32>} : memref<632x32xf32, #tpu.memory_space<vmem>>, vector<16xf32>,
    }
    %scan3A_6 = arith.constant 632 : i32
    %mul3A_7 = arith.constant 632 : i32
    %mul3A_8 = arith.muli %arg1, %mul3A_7 : i32
    "tpu.region"() ({
      %run_scoped3A = tpu.sem_alloc : memref<!tpu.dma_semaphore, #tpu.memory_space<semaphore_mem>>
      %dma_start3A_40 = arith.constant 0 : i32
      %dma_start3A_41 = tpu.memref_slice %arg7[%mul3A_8, %dma_start3A_40] : memref<10112x32xf32, #tpu.memory_space<vmem_shared>> -> memref<632x32xf32, #tpu.memory_space<vmem_shared>>
      %dma_start3A_42 = arith.constant 0 : i32
      %dma_start3A_43 = tpu.memref_slice %arg7[%mul3A_8, %dma_start3A_42] : memref<10112x32xf32, #tpu.memory_space<vmem_shared>> -> memref<632x32xf32, #tpu.memory_space<vmem_shared>>
      tpu.enqueue_dma source(%arg15 : memref<632x32xf32, #tpu.memory_space<vmem>>) target(%dma_start3A_43 : memref<632x32xf32, #tpu.memory_space<vmem_shared>>) target_semaphore(%run_scoped3A : memref<!tpu.dma_semaphore, #tpu.memory_space<semaphore_mem>>)
      %dma_wait3A = arith.constant 0 : i32
      %dma_wait3A_44 = tpu.memref_slice %arg7[%mul3A_8, %dma_wait3A] : memref<10112x32xf32, #tpu.memory_space<vmem_shared>> -> memref<632x32xf32, #tpu.memory_space<vmem_shared>>
      %dma_wait3A_45 = arith.constant 0 : i32
      %dma_wait3A_46 = tpu.memref_slice %arg7[%mul3A_8, %dma_wait3A_45] : memref<10112x32xf32, #tpu.memory_space<vmem_shared>> -> memref<632x32xf32, #tpu.memory_space<vmem_shared>>
      tpu.wait_dma2 semaphore(%run_scoped3A : memref<!tpu.dma_semaphore, #tpu.memory_space<semaphore_mem>>) src(%arg15 : memref<632x32xf32, #tpu.memory_space<vmem>>) dst(%dma_wait3A_46 : memref<632x32xf32, #tpu.memory_space<vmem_shared>>)
      tpu.yield
    }) : () -> ()
    %mul3A_9 = arith.constant 632 : i32
    %mul3A_10 = arith.muli %arg1, %mul3A_9 : i32
    "tpu.region"() ({
      %run_scoped3A = tpu.sem_alloc : memref<!tpu.dma_semaphore, #tpu.memory_space<semaphore_mem>>
      %dma_start3A_40 = arith.constant 0 : i32
      %dma_start3A_41 = tpu.memref_slice %arg8[%mul3A_10, %dma_start3A_40] : memref<10112x32xf32, #tpu.memory_space<vmem_shared>> -> memref<632x32xf32, #tpu.memory_space<vmem_shared>>
      %dma_start3A_42 = arith.constant 0 : i32
      %dma_start3A_43 = tpu.memref_slice %arg8[%mul3A_10, %dma_start3A_42] : memref<10112x32xf32, #tpu.memory_space<vmem_shared>> -> memref<632x32xf32, #tpu.memory_space<vmem_shared>>
      tpu.enqueue_dma source(%arg15 : memref<632x32xf32, #tpu.memory_space<vmem>>) target(%dma_start3A_43 : memref<632x32xf32, #tpu.memory_space<vmem_shared>>) target_semaphore(%run_scoped3A : memref<!tpu.dma_semaphore, #tpu.memory_space<semaphore_mem>>)
      %dma_wait3A = arith.constant 0 : i32
      %dma_wait3A_44 = tpu.memref_slice %arg8[%mul3A_10, %dma_wait3A] : memref<10112x32xf32, #tpu.memory_space<vmem_shared>> -> memref<632x32xf32, #tpu.memory_space<vmem_shared>>
      %dma_wait3A_45 = arith.constant 0 : i32
      %dma_wait3A_46 = tpu.memref_slice %arg8[%mul3A_10, %dma_wait3A_45] : memref<10112x32xf32, #tpu.memory_space<vmem_shared>> -> memref<632x32xf32, #tpu.memory_space<vmem_shared>>
      tpu.wait_dma2 semaphore(%run_scoped3A : memref<!tpu.dma_semaphore, #tpu.memory_space<semaphore_mem>>) src(%arg15 : memref<632x32xf32, #tpu.memory_space<vmem>>) dst(%dma_wait3A_46 : memref<632x32xf32, #tpu.memory_space<vmem_shared>>)
      tpu.yield
    }) : () -> ()
    %mul3A_11 = arith.constant 80 : i32
    %mul3A_12 = arith.muli %add3A, %mul3A_11 : i32
    %multiple_of3A = tpu.assume_multiple %mul3A_12, 8 : i32
    "tpu.region"() ({
      %run_scoped3A = tpu.sem_alloc : memref<!tpu.dma_semaphore, #tpu.memory_space<semaphore_mem>>
      %dma_start3A_40 = arith.constant 0 : i32
      %dma_start3A_41 = tpu.memref_slice %arg3[%multiple_of3A, %dma_start3A_40] : memref<2560x128xi32, #tpu.memory_space<hbm>> -> memref<80x128xi32, #tpu.memory_space<hbm>>
      %dma_start3A_42 = arith.constant 0 : i32
      %dma_start3A_43 = tpu.memref_slice %arg3[%multiple_of3A, %dma_start3A_42] : memref<2560x128xi32, #tpu.memory_space<hbm>> -> memref<80x128xi32, #tpu.memory_space<hbm>>
      tpu.enqueue_dma source(%dma_start3A_43 : memref<80x128xi32, #tpu.memory_space<hbm>>) target(%arg9 : memref<80x128xi32, #tpu.memory_space<vmem>>) target_semaphore(%run_scoped3A : memref<!tpu.dma_semaphore, #tpu.memory_space<semaphore_mem>>)
      %dma_wait3A = arith.constant 0 : i32
      %dma_wait3A_44 = tpu.memref_slice %arg3[%multiple_of3A, %dma_wait3A] : memref<2560x128xi32, #tpu.memory_space<hbm>> -> memref<80x128xi32, #tpu.memory_space<hbm>>
      %dma_wait3A_45 = arith.constant 0 : i32
      %dma_wait3A_46 = tpu.memref_slice %arg3[%multiple_of3A, %dma_wait3A_45] : memref<2560x128xi32, #tpu.memory_space<hbm>> -> memref<80x128xi32, #tpu.memory_space<hbm>>
      tpu.wait_dma2 semaphore(%run_scoped3A : memref<!tpu.dma_semaphore, #tpu.memory_space<semaphore_mem>>) src(%dma_wait3A_46 : memref<80x128xi32, #tpu.memory_space<hbm>>) dst(%arg9 : memref<80x128xi32, #tpu.memory_space<vmem>>)
      tpu.yield
    }) : () -> ()
    "tpu.region"() ({
      %run_scoped3A = tpu.sem_alloc : memref<!tpu.dma_semaphore, #tpu.memory_space<semaphore_mem>>
      %dma_start3A_40 = arith.constant 0 : i32
      %dma_start3A_41 = tpu.memref_slice %arg4[%multiple_of3A, %dma_start3A_40] : memref<2560x128xi32, #tpu.memory_space<hbm>> -> memref<80x128xi32, #tpu.memory_space<hbm>>
      %dma_start3A_42 = arith.constant 0 : i32
      %dma_start3A_43 = tpu.memref_slice %arg4[%multiple_of3A, %dma_start3A_42] : memref<2560x128xi32, #tpu.memory_space<hbm>> -> memref<80x128xi32, #tpu.memory_space<hbm>>
      tpu.enqueue_dma source(%dma_start3A_43 : memref<80x128xi32, #tpu.memory_space<hbm>>) target(%arg10 : memref<80x128xi32, #tpu.memory_space<vmem>>) target_semaphore(%run_scoped3A : memref<!tpu.dma_semaphore, #tpu.memory_space<semaphore_mem>>)
      %dma_wait3A = arith.constant 0 : i32
      %dma_wait3A_44 = tpu.memref_slice %arg4[%multiple_of3A, %dma_wait3A] : memref<2560x128xi32, #tpu.memory_space<hbm>> -> memref<80x128xi32, #tpu.memory_space<hbm>>
      %dma_wait3A_45 = arith.constant 0 : i32
      %dma_wait3A_46 = tpu.memref_slice %arg4[%multiple_of3A, %dma_wait3A_45] : memref<2560x128xi32, #tpu.memory_space<hbm>> -> memref<80x128xi32, #tpu.memory_space<hbm>>
      tpu.wait_dma2 semaphore(%run_scoped3A : memref<!tpu.dma_semaphore, #tpu.memory_space<semaphore_mem>>) src(%dma_wait3A_46 : memref<80x128xi32, #tpu.memory_space<hbm>>) dst(%arg10 : memref<80x128xi32, #tpu.memory_space<vmem>>)
      tpu.yield
    }) : () -> ()
    %mul3A_13 = arith.constant 10240 : i32
    %mul3A_14 = arith.muli %add3A, %mul3A_13 : i32
    %add3A_15 = arith.constant 0 : i32
    %add3A_16 = arith.addi %mul3A_14, %add3A_15 : i32
    %multiple_of3A_17 = tpu.assume_multiple %add3A_16, 128 : i32
    %dma_start3A = arith.constant 0 : i32
    %dma_start3A_18 = tpu.memref_slice %arg2[%multiple_of3A_17, %dma_start3A] : memref<327680x128xf32, #tpu.memory_space<hbm>> -> memref<128x32xf32, #tpu.memory_space<hbm>>
    %dma_start3A_19 = arith.constant 0 : i32
    %dma_start3A_20 = tpu.memref_slice %arg2[%multiple_of3A_17, %dma_start3A_19] : memref<327680x128xf32, #tpu.memory_space<hbm>> -> memref<128x32xf32, #tpu.memory_space<hbm>>
    tpu.enqueue_dma source(%dma_start3A_20 : memref<128x32xf32, #tpu.memory_space<hbm>>) target(%arg11 : memref<128x32xf32, #tpu.memory_space<vmem>>) target_semaphore(%arg16 : memref<!tpu.dma_semaphore, #tpu.memory_space<semaphore_mem>>)
    %dma_start3A_21 = arith.constant 64 : i32
    %dma_start3A_22 = tpu.memref_slice %arg2[%multiple_of3A_17, %dma_start3A_21] : memref<327680x128xf32, #tpu.memory_space<hbm>> -> memref<128x32xf32, #tpu.memory_space<hbm>>
    %dma_start3A_23 = arith.constant 64 : i32
    %dma_start3A_24 = tpu.memref_slice %arg2[%multiple_of3A_17, %dma_start3A_23] : memref<327680x128xf32, #tpu.memory_space<hbm>> -> memref<128x32xf32, #tpu.memory_space<hbm>>
    tpu.enqueue_dma source(%dma_start3A_24 : memref<128x32xf32, #tpu.memory_space<hbm>>) target(%arg12 : memref<128x32xf32, #tpu.memory_space<vmem>>) target_semaphore(%arg16 : memref<!tpu.dma_semaphore, #tpu.memory_space<semaphore_mem>>)
    %barrier3A = arith.constant 0 : index
    tpu.barrier barrier_id(%barrier3A)
    %scan3A_25 = arith.constant 0 : i32
    %scan3A_26 = arith.constant 0 : i32
    %scan3A_27 = arith.constant 40 : i32
    %scan3A_28 = arith.addi %scan3A_26, %scan3A_27 : i32
    %scan3A_29 = arith.constant 1 : i32
    scf.for %scan3A_40 = %scan3A_26 to %scan3A_28 step %scan3A_29  : i32 {
      %mul3A_41 = arith.constant 2 : i32
      %mul3A_42 = arith.muli %mul3A_41, %scan3A_40 : i32
      %add3A_43 = arith.constant 1 : i32
      %add3A_44 = arith.addi %mul3A_42, %add3A_43 : i32
      %mul3A_45 = arith.constant 10240 : i32
      %mul3A_46 = arith.muli %add3A, %mul3A_45 : i32
      %mul3A_47 = arith.constant 128 : i32
      %mul3A_48 = arith.muli %add3A_44, %mul3A_47 : i32
      %add3A_49 = arith.addi %mul3A_46, %mul3A_48 : i32
      %multiple_of3A_50 = tpu.assume_multiple %add3A_49, 128 : i32
      %dma_start3A_51 = arith.constant 0 : i32
      %dma_start3A_52 = tpu.memref_slice %arg2[%multiple_of3A_50, %dma_start3A_51] : memref<327680x128xf32, #tpu.memory_space<hbm>> -> memref<128x32xf32, #tpu.memory_space<hbm>>
      %dma_start3A_53 = arith.constant 0 : i32
      %dma_start3A_54 = tpu.memref_slice %arg2[%multiple_of3A_50, %dma_start3A_53] : memref<327680x128xf32, #tpu.memory_space<hbm>> -> memref<128x32xf32, #tpu.memory_space<hbm>>
      tpu.enqueue_dma source(%dma_start3A_54 : memref<128x32xf32, #tpu.memory_space<hbm>>) target(%arg13 : memref<128x32xf32, #tpu.memory_space<vmem>>) target_semaphore(%arg17 : memref<!tpu.dma_semaphore, #tpu.memory_space<semaphore_mem>>)
      %dma_start3A_55 = arith.constant 64 : i32
      %dma_start3A_56 = tpu.memref_slice %arg2[%multiple_of3A_50, %dma_start3A_55] : memref<327680x128xf32, #tpu.memory_space<hbm>> -> memref<128x32xf32, #tpu.memory_space<hbm>>
      %dma_start3A_57 = arith.constant 64 : i32
      %dma_start3A_58 = tpu.memref_slice %arg2[%multiple_of3A_50, %dma_start3A_57] : memref<327680x128xf32, #tpu.memory_space<hbm>> -> memref<128x32xf32, #tpu.memory_space<hbm>>
      tpu.enqueue_dma source(%dma_start3A_58 : memref<128x32xf32, #tpu.memory_space<hbm>>) target(%arg14 : memref<128x32xf32, #tpu.memory_space<vmem>>) target_semaphore(%arg17 : memref<!tpu.dma_semaphore, #tpu.memory_space<semaphore_mem>>)
      %dma_wait3A = arith.constant 0 : i32
      %dma_wait3A_59 = arith.constant 0 : i32
      %dma_wait3A_60 = tpu.memref_slice %arg2[%dma_wait3A, %dma_wait3A_59] : memref<327680x128xf32, #tpu.memory_space<hbm>> -> memref<128x32xf32, #tpu.memory_space<hbm>>
      %dma_wait3A_61 = arith.constant 0 : i32
      %dma_wait3A_62 = arith.constant 0 : i32
      %dma_wait3A_63 = tpu.memref_slice %arg2[%dma_wait3A_61, %dma_wait3A_62] : memref<327680x128xf32, #tpu.memory_space<hbm>> -> memref<128x32xf32, #tpu.memory_space<hbm>>
      tpu.wait_dma2 semaphore(%arg16 : memref<!tpu.dma_semaphore, #tpu.memory_space<semaphore_mem>>) src(%dma_wait3A_63 : memref<128x32xf32, #tpu.memory_space<hbm>>) dst(%arg11 : memref<128x32xf32, #tpu.memory_space<vmem>>)
      %dma_wait3A_64 = arith.constant 0 : i32
      %dma_wait3A_65 = arith.constant 0 : i32
      %dma_wait3A_66 = tpu.memref_slice %arg2[%dma_wait3A_64, %dma_wait3A_65] : memref<327680x128xf32, #tpu.memory_space<hbm>> -> memref<128x32xf32, #tpu.memory_space<hbm>>
      %dma_wait3A_67 = arith.constant 0 : i32
      %dma_wait3A_68 = arith.constant 0 : i32
      %dma_wait3A_69 = tpu.memref_slice %arg2[%dma_wait3A_67, %dma_wait3A_68] : memref<327680x128xf32, #tpu.memory_space<hbm>> -> memref<128x32xf32, #tpu.memory_space<hbm>>
      tpu.wait_dma2 semaphore(%arg16 : memref<!tpu.dma_semaphore, #tpu.memory_space<semaphore_mem>>) src(%dma_wait3A_69 : memref<128x32xf32, #tpu.memory_space<hbm>>) dst(%arg12 : memref<128x32xf32, #tpu.memory_space<vmem>>)
      "tpu.region"() ({
        %run_scoped3A = tpu.sem_alloc : memref<!tpu.dma_semaphore, #tpu.memory_space<semaphore_mem>>
        %dma_start3A_88 = arith.constant 0 : i32
        %dma_start3A_89 = tpu.memref_slice %arg9[%mul3A_42, %dma_start3A_88] : memref<80x128xi32, #tpu.memory_space<vmem>> -> memref<1x128xi32, #tpu.memory_space<vmem>>
        %dma_start3A_90 = tpu.memref_squeeze %dma_start3A_89 : memref<1x128xi32, #tpu.memory_space<vmem>> -> memref<128xi32, #tpu.memory_space<vmem>>
        %dma_start3A_91 = arith.constant 0 : i32
        %dma_start3A_92 = arith.constant 0 : i32
        %dma_start3A_93 = tpu.memref_slice %arg7[%dma_start3A_91, %dma_start3A_92] : memref<10112x32xf32, #tpu.memory_space<vmem_shared>> -> memref<10112x32xf32, #tpu.memory_space<vmem_shared>>
        tpu.enqueue_indirect_dma source(%arg11 : memref<128x32xf32, #tpu.memory_space<vmem>>) target(%dma_start3A_93 : memref<10112x32xf32, #tpu.memory_space<vmem_shared>>) offsets(%dma_start3A_90 : memref<128xi32, #tpu.memory_space<vmem>>) semaphore(%run_scoped3A : memref<!tpu.dma_semaphore, #tpu.memory_space<semaphore_mem>>) {add = true}
        %dma_wait3A_94 = arith.constant 0 : i32
        %dma_wait3A_95 = tpu.memref_slice %arg9[%mul3A_42, %dma_wait3A_94] : memref<80x128xi32, #tpu.memory_space<vmem>> -> memref<1x128xi32, #tpu.memory_space<vmem>>
        %dma_wait3A_96 = tpu.memref_squeeze %dma_wait3A_95 : memref<1x128xi32, #tpu.memory_space<vmem>> -> memref<128xi32, #tpu.memory_space<vmem>>
        %dma_wait3A_97 = arith.constant 0 : i32
        %dma_wait3A_98 = arith.constant 0 : i32
        %dma_wait3A_99 = tpu.memref_slice %arg7[%dma_wait3A_97, %dma_wait3A_98] : memref<10112x32xf32, #tpu.memory_space<vmem_shared>> -> memref<10112x32xf32, #tpu.memory_space<vmem_shared>>
        tpu.wait_indirect_dma semaphore(%run_scoped3A : memref<!tpu.dma_semaphore, #tpu.memory_space<semaphore_mem>>) src(%arg11 : memref<128x32xf32, #tpu.memory_space<vmem>>) dst(%dma_wait3A_99 : memref<10112x32xf32, #tpu.memory_space<vmem_shared>>)
        tpu.yield
      }) : () -> ()
      "tpu.region"() ({
        %run_scoped3A = tpu.sem_alloc : memref<!tpu.dma_semaphore, #tpu.memory_space<semaphore_mem>>
        %dma_start3A_88 = arith.constant 0 : i32
        %dma_start3A_89 = tpu.memref_slice %arg10[%mul3A_42, %dma_start3A_88] : memref<80x128xi32, #tpu.memory_space<vmem>> -> memref<1x128xi32, #tpu.memory_space<vmem>>
        %dma_start3A_90 = tpu.memref_squeeze %dma_start3A_89 : memref<1x128xi32, #tpu.memory_space<vmem>> -> memref<128xi32, #tpu.memory_space<vmem>>
        %dma_start3A_91 = arith.constant 0 : i32
        %dma_start3A_92 = arith.constant 0 : i32
        %dma_start3A_93 = tpu.memref_slice %arg8[%dma_start3A_91, %dma_start3A_92] : memref<10112x32xf32, #tpu.memory_space<vmem_shared>> -> memref<10112x32xf32, #tpu.memory_space<vmem_shared>>
        tpu.enqueue_indirect_dma source(%arg12 : memref<128x32xf32, #tpu.memory_space<vmem>>) target(%dma_start3A_93 : memref<10112x32xf32, #tpu.memory_space<vmem_shared>>) offsets(%dma_start3A_90 : memref<128xi32, #tpu.memory_space<vmem>>) semaphore(%run_scoped3A : memref<!tpu.dma_semaphore, #tpu.memory_space<semaphore_mem>>) {add = true}
        %dma_wait3A_94 = arith.constant 0 : i32
        %dma_wait3A_95 = tpu.memref_slice %arg10[%mul3A_42, %dma_wait3A_94] : memref<80x128xi32, #tpu.memory_space<vmem>> -> memref<1x128xi32, #tpu.memory_space<vmem>>
        %dma_wait3A_96 = tpu.memref_squeeze %dma_wait3A_95 : memref<1x128xi32, #tpu.memory_space<vmem>> -> memref<128xi32, #tpu.memory_space<vmem>>
        %dma_wait3A_97 = arith.constant 0 : i32
        %dma_wait3A_98 = arith.constant 0 : i32
        %dma_wait3A_99 = tpu.memref_slice %arg8[%dma_wait3A_97, %dma_wait3A_98] : memref<10112x32xf32, #tpu.memory_space<vmem_shared>> -> memref<10112x32xf32, #tpu.memory_space<vmem_shared>>
        tpu.wait_indirect_dma semaphore(%run_scoped3A : memref<!tpu.dma_semaphore, #tpu.memory_space<semaphore_mem>>) src(%arg12 : memref<128x32xf32, #tpu.memory_space<vmem>>) dst(%dma_wait3A_99 : memref<10112x32xf32, #tpu.memory_space<vmem_shared>>)
        tpu.yield
      }) : () -> ()
      %lt3A = arith.constant 39 : i32
      %lt3A_70 = arith.cmpi slt, %scan3A_40, %lt3A : i32
      %convert_element_type3A = arith.extui %lt3A_70 : i1 to i32
      %cond3A = arith.constant 0 : i32
      %cond3A_71 = arith.cmpi ne, %convert_element_type3A, %cond3A : i32
      scf.if %cond3A_71 {
        %add3A_88 = arith.constant 2 : i32
        %add3A_89 = arith.addi %mul3A_42, %add3A_88 : i32
        %mul3A_90 = arith.constant 10240 : i32
        %mul3A_91 = arith.muli %add3A, %mul3A_90 : i32
        %mul3A_92 = arith.constant 128 : i32
        %mul3A_93 = arith.muli %add3A_89, %mul3A_92 : i32
        %add3A_94 = arith.addi %mul3A_91, %mul3A_93 : i32
        %multiple_of3A_95 = tpu.assume_multiple %add3A_94, 128 : i32
        %dma_start3A_96 = arith.constant 0 : i32
        %dma_start3A_97 = tpu.memref_slice %arg2[%multiple_of3A_95, %dma_start3A_96] : memref<327680x128xf32, #tpu.memory_space<hbm>> -> memref<128x32xf32, #tpu.memory_space<hbm>>
        %dma_start3A_98 = arith.constant 0 : i32
        %dma_start3A_99 = tpu.memref_slice %arg2[%multiple_of3A_95, %dma_start3A_98] : memref<327680x128xf32, #tpu.memory_space<hbm>> -> memref<128x32xf32, #tpu.memory_space<hbm>>
        tpu.enqueue_dma source(%dma_start3A_99 : memref<128x32xf32, #tpu.memory_space<hbm>>) target(%arg11 : memref<128x32xf32, #tpu.memory_space<vmem>>) target_semaphore(%arg16 : memref<!tpu.dma_semaphore, #tpu.memory_space<semaphore_mem>>)
        %dma_start3A_100 = arith.constant 64 : i32
        %dma_start3A_101 = tpu.memref_slice %arg2[%multiple_of3A_95, %dma_start3A_100] : memref<327680x128xf32, #tpu.memory_space<hbm>> -> memref<128x32xf32, #tpu.memory_space<hbm>>
        %dma_start3A_102 = arith.constant 64 : i32
        %dma_start3A_103 = tpu.memref_slice %arg2[%multiple_of3A_95, %dma_start3A_102] : memref<327680x128xf32, #tpu.memory_space<hbm>> -> memref<128x32xf32, #tpu.memory_space<hbm>>
        tpu.enqueue_dma source(%dma_start3A_103 : memref<128x32xf32, #tpu.memory_space<hbm>>) target(%arg12 : memref<128x32xf32, #tpu.memory_space<vmem>>) target_semaphore(%arg16 : memref<!tpu.dma_semaphore, #tpu.memory_space<semaphore_mem>>)
      } else {
      }
      %dma_wait3A_72 = arith.constant 0 : i32
      %dma_wait3A_73 = arith.constant 0 : i32
      %dma_wait3A_74 = tpu.memref_slice %arg2[%dma_wait3A_72, %dma_wait3A_73] : memref<327680x128xf32, #tpu.memory_space<hbm>> -> memref<128x32xf32, #tpu.memory_space<hbm>>
      %dma_wait3A_75 = arith.constant 0 : i32
      %dma_wait3A_76 = arith.constant 0 : i32
      %dma_wait3A_77 = tpu.memref_slice %arg2[%dma_wait3A_75, %dma_wait3A_76] : memref<327680x128xf32, #tpu.memory_space<hbm>> -> memref<128x32xf32, #tpu.memory_space<hbm>>
      tpu.wait_dma2 semaphore(%arg17 : memref<!tpu.dma_semaphore, #tpu.memory_space<semaphore_mem>>) src(%dma_wait3A_77 : memref<128x32xf32, #tpu.memory_space<hbm>>) dst(%arg13 : memref<128x32xf32, #tpu.memory_space<vmem>>)
      %dma_wait3A_78 = arith.constant 0 : i32
      %dma_wait3A_79 = arith.constant 0 : i32
      %dma_wait3A_80 = tpu.memref_slice %arg2[%dma_wait3A_78, %dma_wait3A_79] : memref<327680x128xf32, #tpu.memory_space<hbm>> -> memref<128x32xf32, #tpu.memory_space<hbm>>
      %dma_wait3A_81 = arith.constant 0 : i32
      %dma_wait3A_82 = arith.constant 0 : i32
      %dma_wait3A_83 = tpu.memref_slice %arg2[%dma_wait3A_81, %dma_wait3A_82] : memref<327680x128xf32, #tpu.memory_space<hbm>> -> memref<128x32xf32, #tpu.memory_space<hbm>>
      tpu.wait_dma2 semaphore(%arg17 : memref<!tpu.dma_semaphore, #tpu.memory_space<semaphore_mem>>) src(%dma_wait3A_83 : memref<128x32xf32, #tpu.memory_space<hbm>>) dst(%arg14 : memref<128x32xf32, #tpu.memory_space<vmem>>)
      %add3A_84 = arith.constant 1 : i32
      %add3A_85 = arith.addi %mul3A_42, %add3A_84 : i32
      "tpu.region"() ({
        %run_scoped3A = tpu.sem_alloc : memref<!tpu.dma_semaphore, #tpu.memory_space<semaphore_mem>>
        %dma_start3A_88 = arith.constant 0 : i32
        %dma_start3A_89 = tpu.memref_slice %arg9[%add3A_85, %dma_start3A_88] : memref<80x128xi32, #tpu.memory_space<vmem>> -> memref<1x128xi32, #tpu.memory_space<vmem>>
        %dma_start3A_90 = tpu.memref_squeeze %dma_start3A_89 : memref<1x128xi32, #tpu.memory_space<vmem>> -> memref<128xi32, #tpu.memory_space<vmem>>
        %dma_start3A_91 = arith.constant 0 : i32
        %dma_start3A_92 = arith.constant 0 : i32
        %dma_start3A_93 = tpu.memref_slice %arg7[%dma_start3A_91, %dma_start3A_92] : memref<10112x32xf32, #tpu.memory_space<vmem_shared>> -> memref<10112x32xf32, #tpu.memory_space<vmem_shared>>
        tpu.enqueue_indirect_dma source(%arg13 : memref<128x32xf32, #tpu.memory_space<vmem>>) target(%dma_start3A_93 : memref<10112x32xf32, #tpu.memory_space<vmem_shared>>) offsets(%dma_start3A_90 : memref<128xi32, #tpu.memory_space<vmem>>) semaphore(%run_scoped3A : memref<!tpu.dma_semaphore, #tpu.memory_space<semaphore_mem>>) {add = true}
        %dma_wait3A_94 = arith.constant 0 : i32
        %dma_wait3A_95 = tpu.memref_slice %arg9[%add3A_85, %dma_wait3A_94] : memref<80x128xi32, #tpu.memory_space<vmem>> -> memref<1x128xi32, #tpu.memory_space<vmem>>
        %dma_wait3A_96 = tpu.memref_squeeze %dma_wait3A_95 : memref<1x128xi32, #tpu.memory_space<vmem>> -> memref<128xi32, #tpu.memory_space<vmem>>
        %dma_wait3A_97 = arith.constant 0 : i32
        %dma_wait3A_98 = arith.constant 0 : i32
        %dma_wait3A_99 = tpu.memref_slice %arg7[%dma_wait3A_97, %dma_wait3A_98] : memref<10112x32xf32, #tpu.memory_space<vmem_shared>> -> memref<10112x32xf32, #tpu.memory_space<vmem_shared>>
        tpu.wait_indirect_dma semaphore(%run_scoped3A : memref<!tpu.dma_semaphore, #tpu.memory_space<semaphore_mem>>) src(%arg13 : memref<128x32xf32, #tpu.memory_space<vmem>>) dst(%dma_wait3A_99 : memref<10112x32xf32, #tpu.memory_space<vmem_shared>>)
        tpu.yield
      }) : () -> ()
      %add3A_86 = arith.constant 1 : i32
      %add3A_87 = arith.addi %mul3A_42, %add3A_86 : i32
      "tpu.region"() ({
        %run_scoped3A = tpu.sem_alloc : memref<!tpu.dma_semaphore, #tpu.memory_space<semaphore_mem>>
        %dma_start3A_88 = arith.constant 0 : i32
        %dma_start3A_89 = tpu.memref_slice %arg10[%add3A_87, %dma_start3A_88] : memref<80x128xi32, #tpu.memory_space<vmem>> -> memref<1x128xi32, #tpu.memory_space<vmem>>
        %dma_start3A_90 = tpu.memref_squeeze %dma_start3A_89 : memref<1x128xi32, #tpu.memory_space<vmem>> -> memref<128xi32, #tpu.memory_space<vmem>>
        %dma_start3A_91 = arith.constant 0 : i32
        %dma_start3A_92 = arith.constant 0 : i32
        %dma_start3A_93 = tpu.memref_slice %arg8[%dma_start3A_91, %dma_start3A_92] : memref<10112x32xf32, #tpu.memory_space<vmem_shared>> -> memref<10112x32xf32, #tpu.memory_space<vmem_shared>>
        tpu.enqueue_indirect_dma source(%arg14 : memref<128x32xf32, #tpu.memory_space<vmem>>) target(%dma_start3A_93 : memref<10112x32xf32, #tpu.memory_space<vmem_shared>>) offsets(%dma_start3A_90 : memref<128xi32, #tpu.memory_space<vmem>>) semaphore(%run_scoped3A : memref<!tpu.dma_semaphore, #tpu.memory_space<semaphore_mem>>) {add = true}
        %dma_wait3A_94 = arith.constant 0 : i32
        %dma_wait3A_95 = tpu.memref_slice %arg10[%add3A_87, %dma_wait3A_94] : memref<80x128xi32, #tpu.memory_space<vmem>> -> memref<1x128xi32, #tpu.memory_space<vmem>>
        %dma_wait3A_96 = tpu.memref_squeeze %dma_wait3A_95 : memref<1x128xi32, #tpu.memory_space<vmem>> -> memref<128xi32, #tpu.memory_space<vmem>>
        %dma_wait3A_97 = arith.constant 0 : i32
        %dma_wait3A_98 = arith.constant 0 : i32
        %dma_wait3A_99 = tpu.memref_slice %arg8[%dma_wait3A_97, %dma_wait3A_98] : memref<10112x32xf32, #tpu.memory_space<vmem_shared>> -> memref<10112x32xf32, #tpu.memory_space<vmem_shared>>
        tpu.wait_indirect_dma semaphore(%run_scoped3A : memref<!tpu.dma_semaphore, #tpu.memory_space<semaphore_mem>>) src(%arg14 : memref<128x32xf32, #tpu.memory_space<vmem>>) dst(%dma_wait3A_99 : memref<10112x32xf32, #tpu.memory_space<vmem_shared>>)
        tpu.yield
      }) : () -> ()
    }
    %scan3A_30 = arith.constant 40 : i32
    %barrier3A_31 = arith.constant 0 : index
    tpu.barrier barrier_id(%barrier3A_31)
    %mul3A_32 = arith.constant 632 : i32
    %mul3A_33 = arith.muli %arg1, %mul3A_32 : i32
    "tpu.region"() ({
      %run_scoped3A = tpu.sem_alloc : memref<!tpu.dma_semaphore, #tpu.memory_space<semaphore_mem>>
      %dma_start3A_40 = arith.constant 0 : i32
      %dma_start3A_41 = tpu.memref_slice %arg7[%mul3A_33, %dma_start3A_40] : memref<10112x32xf32, #tpu.memory_space<vmem_shared>> -> memref<632x32xf32, #tpu.memory_space<vmem_shared>>
      %dma_start3A_42 = arith.constant 0 : i32
      %dma_start3A_43 = tpu.memref_slice %arg7[%mul3A_33, %dma_start3A_42] : memref<10112x32xf32, #tpu.memory_space<vmem_shared>> -> memref<632x32xf32, #tpu.memory_space<vmem_shared>>
      tpu.enqueue_dma source(%dma_start3A_43 : memref<632x32xf32, #tpu.memory_space<vmem_shared>>) target(%arg15 : memref<632x32xf32, #tpu.memory_space<vmem>>) target_semaphore(%run_scoped3A : memref<!tpu.dma_semaphore, #tpu.memory_space<semaphore_mem>>)
      %dma_wait3A = arith.constant 0 : i32
      %dma_wait3A_44 = tpu.memref_slice %arg7[%mul3A_33, %dma_wait3A] : memref<10112x32xf32, #tpu.memory_space<vmem_shared>> -> memref<632x32xf32, #tpu.memory_space<vmem_shared>>
      %dma_wait3A_45 = arith.constant 0 : i32
      %dma_wait3A_46 = tpu.memref_slice %arg7[%mul3A_33, %dma_wait3A_45] : memref<10112x32xf32, #tpu.memory_space<vmem_shared>> -> memref<632x32xf32, #tpu.memory_space<vmem_shared>>
      tpu.wait_dma2 semaphore(%run_scoped3A : memref<!tpu.dma_semaphore, #tpu.memory_space<semaphore_mem>>) src(%dma_wait3A_46 : memref<632x32xf32, #tpu.memory_space<vmem_shared>>) dst(%arg15 : memref<632x32xf32, #tpu.memory_space<vmem>>)
      tpu.yield
    }) : () -> ()
    %mul3A_34 = arith.constant 632 : i32
    %mul3A_35 = arith.muli %arg1, %mul3A_34 : i32
    "tpu.region"() ({
      %run_scoped3A = tpu.sem_alloc : memref<!tpu.dma_semaphore, #tpu.memory_space<semaphore_mem>>
      %dma_start3A_40 = arith.constant 0 : i32
      %dma_start3A_41 = tpu.memref_slice %arg5[%arg0, %mul3A_35, %dma_start3A_40] : memref<2x10112x32xf32, #tpu.memory_space<hbm>> -> memref<1x632x32xf32, #tpu.memory_space<hbm>>
      %dma_start3A_42 = tpu.memref_squeeze %dma_start3A_41 : memref<1x632x32xf32, #tpu.memory_space<hbm>> -> memref<632x32xf32, #tpu.memory_space<hbm>>
      %dma_start3A_43 = arith.constant 0 : i32
      %dma_start3A_44 = tpu.memref_slice %arg5[%arg0, %mul3A_35, %dma_start3A_43] : memref<2x10112x32xf32, #tpu.memory_space<hbm>> -> memref<1x632x32xf32, #tpu.memory_space<hbm>>
      %dma_start3A_45 = tpu.memref_squeeze %dma_start3A_44 : memref<1x632x32xf32, #tpu.memory_space<hbm>> -> memref<632x32xf32, #tpu.memory_space<hbm>>
      tpu.enqueue_dma source(%arg15 : memref<632x32xf32, #tpu.memory_space<vmem>>) target(%dma_start3A_45 : memref<632x32xf32, #tpu.memory_space<hbm>>) target_semaphore(%run_scoped3A : memref<!tpu.dma_semaphore, #tpu.memory_space<semaphore_mem>>)
      %dma_wait3A = arith.constant 0 : i32
      %dma_wait3A_46 = tpu.memref_slice %arg5[%arg0, %mul3A_35, %dma_wait3A] : memref<2x10112x32xf32, #tpu.memory_space<hbm>> -> memref<1x632x32xf32, #tpu.memory_space<hbm>>
      %dma_wait3A_47 = tpu.memref_squeeze %dma_wait3A_46 : memref<1x632x32xf32, #tpu.memory_space<hbm>> -> memref<632x32xf32, #tpu.memory_space<hbm>>
      %dma_wait3A_48 = arith.constant 0 : i32
      %dma_wait3A_49 = tpu.memref_slice %arg5[%arg0, %mul3A_35, %dma_wait3A_48] : memref<2x10112x32xf32, #tpu.memory_space<hbm>> -> memref<1x632x32xf32, #tpu.memory_space<hbm>>
      %dma_wait3A_50 = tpu.memref_squeeze %dma_wait3A_49 : memref<1x632x32xf32, #tpu.memory_space<hbm>> -> memref<632x32xf32, #tpu.memory_space<hbm>>
      tpu.wait_dma2 semaphore(%run_scoped3A : memref<!tpu.dma_semaphore, #tpu.memory_space<semaphore_mem>>) src(%arg15 : memref<632x32xf32, #tpu.memory_space<vmem>>) dst(%dma_wait3A_50 : memref<632x32xf32, #tpu.memory_space<hbm>>)
      tpu.yield
    }) : () -> ()
    %mul3A_36 = arith.constant 632 : i32
    %mul3A_37 = arith.muli %arg1, %mul3A_36 : i32
    "tpu.region"() ({
      %run_scoped3A = tpu.sem_alloc : memref<!tpu.dma_semaphore, #tpu.memory_space<semaphore_mem>>
      %dma_start3A_40 = arith.constant 0 : i32
      %dma_start3A_41 = tpu.memref_slice %arg8[%mul3A_37, %dma_start3A_40] : memref<10112x32xf32, #tpu.memory_space<vmem_shared>> -> memref<632x32xf32, #tpu.memory_space<vmem_shared>>
      %dma_start3A_42 = arith.constant 0 : i32
      %dma_start3A_43 = tpu.memref_slice %arg8[%mul3A_37, %dma_start3A_42] : memref<10112x32xf32, #tpu.memory_space<vmem_shared>> -> memref<632x32xf32, #tpu.memory_space<vmem_shared>>
      tpu.enqueue_dma source(%dma_start3A_43 : memref<632x32xf32, #tpu.memory_space<vmem_shared>>) target(%arg15 : memref<632x32xf32, #tpu.memory_space<vmem>>) target_semaphore(%run_scoped3A : memref<!tpu.dma_semaphore, #tpu.memory_space<semaphore_mem>>)
      %dma_wait3A = arith.constant 0 : i32
      %dma_wait3A_44 = tpu.memref_slice %arg8[%mul3A_37, %dma_wait3A] : memref<10112x32xf32, #tpu.memory_space<vmem_shared>> -> memref<632x32xf32, #tpu.memory_space<vmem_shared>>
      %dma_wait3A_45 = arith.constant 0 : i32
      %dma_wait3A_46 = tpu.memref_slice %arg8[%mul3A_37, %dma_wait3A_45] : memref<10112x32xf32, #tpu.memory_space<vmem_shared>> -> memref<632x32xf32, #tpu.memory_space<vmem_shared>>
      tpu.wait_dma2 semaphore(%run_scoped3A : memref<!tpu.dma_semaphore, #tpu.memory_space<semaphore_mem>>) src(%dma_wait3A_46 : memref<632x32xf32, #tpu.memory_space<vmem_shared>>) dst(%arg15 : memref<632x32xf32, #tpu.memory_space<vmem>>)
      tpu.yield
    }) : () -> ()
    %mul3A_38 = arith.constant 632 : i32
    %mul3A_39 = arith.muli %arg1, %mul3A_38 : i32
    "tpu.region"() ({
      %run_scoped3A = tpu.sem_alloc : memref<!tpu.dma_semaphore, #tpu.memory_space<semaphore_mem>>
      %dma_start3A_40 = arith.constant 0 : i32
      %dma_start3A_41 = tpu.memref_slice %arg6[%arg0, %mul3A_39, %dma_start3A_40] : memref<2x10112x32xf32, #tpu.memory_space<hbm>> -> memref<1x632x32xf32, #tpu.memory_space<hbm>>
      %dma_start3A_42 = tpu.memref_squeeze %dma_start3A_41 : memref<1x632x32xf32, #tpu.memory_space<hbm>> -> memref<632x32xf32, #tpu.memory_space<hbm>>
      %dma_start3A_43 = arith.constant 0 : i32
      %dma_start3A_44 = tpu.memref_slice %arg6[%arg0, %mul3A_39, %dma_start3A_43] : memref<2x10112x32xf32, #tpu.memory_space<hbm>> -> memref<1x632x32xf32, #tpu.memory_space<hbm>>
      %dma_start3A_45 = tpu.memref_squeeze %dma_start3A_44 : memref<1x632x32xf32, #tpu.memory_space<hbm>> -> memref<632x32xf32, #tpu.memory_space<hbm>>
      tpu.enqueue_dma source(%arg15 : memref<632x32xf32, #tpu.memory_space<vmem>>) target(%dma_start3A_45 : memref<632x32xf32, #tpu.memory_space<hbm>>) target_semaphore(%run_scoped3A : memref<!tpu.dma_semaphore, #tpu.memory_space<semaphore_mem>>)
      %dma_wait3A = arith.constant 0 : i32
      %dma_wait3A_46 = tpu.memref_slice %arg6[%arg0, %mul3A_39, %dma_wait3A] : memref<2x10112x32xf32, #tpu.memory_space<hbm>> -> memref<1x632x32xf32, #tpu.memory_space<hbm>>
      %dma_wait3A_47 = tpu.memref_squeeze %dma_wait3A_46 : memref<1x632x32xf32, #tpu.memory_space<hbm>> -> memref<632x32xf32, #tpu.memory_space<hbm>>
      %dma_wait3A_48 = arith.constant 0 : i32
      %dma_wait3A_49 = tpu.memref_slice %arg6[%arg0, %mul3A_39, %dma_wait3A_48] : memref<2x10112x32xf32, #tpu.memory_space<hbm>> -> memref<1x632x32xf32, #tpu.memory_space<hbm>>
      %dma_wait3A_50 = tpu.memref_squeeze %dma_wait3A_49 : memref<1x632x32xf32, #tpu.memory_space<hbm>> -> memref<632x32xf32, #tpu.memory_space<hbm>>
      tpu.wait_dma2 semaphore(%run_scoped3A : memref<!tpu.dma_semaphore, #tpu.memory_space<semaphore_mem>>) src(%arg15 : memref<632x32xf32, #tpu.memory_space<vmem>>) dst(%dma_wait3A_50 : memref<632x32xf32, #tpu.memory_space<hbm>>)
      tpu.yield
    }) : () -> ()
    return
  }
}

#map = affine_map<(d0, d1) -> (0)>
#map1 = affine_map<(d0, d1) -> (0, 0)>
module attributes {stable_mosaic.version = 14 : i64} {
  func.func @_sc_edge_vec_body(%arg0: i32, %arg1: i32, %arg2: memref<10112xf32, #tpu.memory_space<hbm>>, %arg3: memref<10112xf32, #tpu.memory_space<hbm>>, %arg4: memref<10112xf32, #tpu.memory_space<hbm>>, %arg5: memref<32x10240xi32, #tpu.memory_space<hbm>>, %arg6: memref<32x10240xi32, #tpu.memory_space<hbm>>, %arg7: memref<3x327680xf32, #tpu.memory_space<hbm>>, %arg8: memref<10112xf32, #tpu.memory_space<vmem>>, %arg9: memref<10112xf32, #tpu.memory_space<vmem>>, %arg10: memref<10112xf32, #tpu.memory_space<vmem>>, %arg11: memref<10240xi32, #tpu.memory_space<vmem>>, %arg12: memref<10240xi32, #tpu.memory_space<vmem>>, %arg13: memref<10240xf32, #tpu.memory_space<vmem>>, %arg14: memref<10240xf32, #tpu.memory_space<vmem>>, %arg15: memref<10240xf32, #tpu.memory_space<vmem>>) attributes {dimension_semantics = [#tpu.dimension_semantics<core_parallel>, #tpu.dimension_semantics<subcore_parallel>], iteration_bounds = array<i64: 2, 16>, scalar_prefetch = 0 : i64, scratch_operands = 8 : i64, tpu.core_type = #tpu.core_type<sc_vector_subcore>, window_params = [{transform_indices = #map}, {transform_indices = #map}, {transform_indices = #map}, {transform_indices = #map1}, {transform_indices = #map1}, {transform_indices = #map1}]} {
    %mul3A = arith.constant 16 : i32
    %mul3A_0 = arith.muli %arg0, %mul3A : i32
    %add3A = arith.addi %mul3A_0, %arg1 : i32
    "tpu.region"() ({
      %run_scoped3A_10 = tpu.sem_alloc : memref<!tpu.dma_semaphore, #tpu.memory_space<semaphore_mem>>
      tpu.enqueue_dma source(%arg2 : memref<10112xf32, #tpu.memory_space<hbm>>) target(%arg8 : memref<10112xf32, #tpu.memory_space<vmem>>) target_semaphore(%run_scoped3A_10 : memref<!tpu.dma_semaphore, #tpu.memory_space<semaphore_mem>>)
      tpu.wait_dma2 semaphore(%run_scoped3A_10 : memref<!tpu.dma_semaphore, #tpu.memory_space<semaphore_mem>>) src(%arg2 : memref<10112xf32, #tpu.memory_space<hbm>>) dst(%arg8 : memref<10112xf32, #tpu.memory_space<vmem>>)
      tpu.yield
    }) : () -> ()
    "tpu.region"() ({
      %run_scoped3A_10 = tpu.sem_alloc : memref<!tpu.dma_semaphore, #tpu.memory_space<semaphore_mem>>
      tpu.enqueue_dma source(%arg3 : memref<10112xf32, #tpu.memory_space<hbm>>) target(%arg9 : memref<10112xf32, #tpu.memory_space<vmem>>) target_semaphore(%run_scoped3A_10 : memref<!tpu.dma_semaphore, #tpu.memory_space<semaphore_mem>>)
      tpu.wait_dma2 semaphore(%run_scoped3A_10 : memref<!tpu.dma_semaphore, #tpu.memory_space<semaphore_mem>>) src(%arg3 : memref<10112xf32, #tpu.memory_space<hbm>>) dst(%arg9 : memref<10112xf32, #tpu.memory_space<vmem>>)
      tpu.yield
    }) : () -> ()
    "tpu.region"() ({
      %run_scoped3A_10 = tpu.sem_alloc : memref<!tpu.dma_semaphore, #tpu.memory_space<semaphore_mem>>
      tpu.enqueue_dma source(%arg4 : memref<10112xf32, #tpu.memory_space<hbm>>) target(%arg10 : memref<10112xf32, #tpu.memory_space<vmem>>) target_semaphore(%run_scoped3A_10 : memref<!tpu.dma_semaphore, #tpu.memory_space<semaphore_mem>>)
      tpu.wait_dma2 semaphore(%run_scoped3A_10 : memref<!tpu.dma_semaphore, #tpu.memory_space<semaphore_mem>>) src(%arg4 : memref<10112xf32, #tpu.memory_space<hbm>>) dst(%arg10 : memref<10112xf32, #tpu.memory_space<vmem>>)
      tpu.yield
    }) : () -> ()
    "tpu.region"() ({
      %run_scoped3A_10 = tpu.sem_alloc : memref<!tpu.dma_semaphore, #tpu.memory_space<semaphore_mem>>
      %dma_start3A = arith.constant 0 : i32
      %dma_start3A_11 = tpu.memref_slice %arg5[%add3A, %dma_start3A] : memref<32x10240xi32, #tpu.memory_space<hbm>> -> memref<1x10240xi32, #tpu.memory_space<hbm>>
      %dma_start3A_12 = tpu.memref_squeeze %dma_start3A_11 : memref<1x10240xi32, #tpu.memory_space<hbm>> -> memref<10240xi32, #tpu.memory_space<hbm>>
      %dma_start3A_13 = arith.constant 0 : i32
      %dma_start3A_14 = tpu.memref_slice %arg5[%add3A, %dma_start3A_13] : memref<32x10240xi32, #tpu.memory_space<hbm>> -> memref<1x10240xi32, #tpu.memory_space<hbm>>
      %dma_start3A_15 = tpu.memref_squeeze %dma_start3A_14 : memref<1x10240xi32, #tpu.memory_space<hbm>> -> memref<10240xi32, #tpu.memory_space<hbm>>
      tpu.enqueue_dma source(%dma_start3A_15 : memref<10240xi32, #tpu.memory_space<hbm>>) target(%arg11 : memref<10240xi32, #tpu.memory_space<vmem>>) target_semaphore(%run_scoped3A_10 : memref<!tpu.dma_semaphore, #tpu.memory_space<semaphore_mem>>)
      %dma_wait3A = arith.constant 0 : i32
      %dma_wait3A_16 = tpu.memref_slice %arg5[%add3A, %dma_wait3A] : memref<32x10240xi32, #tpu.memory_space<hbm>> -> memref<1x10240xi32, #tpu.memory_space<hbm>>
      %dma_wait3A_17 = tpu.memref_squeeze %dma_wait3A_16 : memref<1x10240xi32, #tpu.memory_space<hbm>> -> memref<10240xi32, #tpu.memory_space<hbm>>
      %dma_wait3A_18 = arith.constant 0 : i32
      %dma_wait3A_19 = tpu.memref_slice %arg5[%add3A, %dma_wait3A_18] : memref<32x10240xi32, #tpu.memory_space<hbm>> -> memref<1x10240xi32, #tpu.memory_space<hbm>>
      %dma_wait3A_20 = tpu.memref_squeeze %dma_wait3A_19 : memref<1x10240xi32, #tpu.memory_space<hbm>> -> memref<10240xi32, #tpu.memory_space<hbm>>
      tpu.wait_dma2 semaphore(%run_scoped3A_10 : memref<!tpu.dma_semaphore, #tpu.memory_space<semaphore_mem>>) src(%dma_wait3A_20 : memref<10240xi32, #tpu.memory_space<hbm>>) dst(%arg11 : memref<10240xi32, #tpu.memory_space<vmem>>)
      tpu.yield
    }) : () -> ()
    "tpu.region"() ({
      %run_scoped3A_10 = tpu.sem_alloc : memref<!tpu.dma_semaphore, #tpu.memory_space<semaphore_mem>>
      %dma_start3A = arith.constant 0 : i32
      %dma_start3A_11 = tpu.memref_slice %arg6[%add3A, %dma_start3A] : memref<32x10240xi32, #tpu.memory_space<hbm>> -> memref<1x10240xi32, #tpu.memory_space<hbm>>
      %dma_start3A_12 = tpu.memref_squeeze %dma_start3A_11 : memref<1x10240xi32, #tpu.memory_space<hbm>> -> memref<10240xi32, #tpu.memory_space<hbm>>
      %dma_start3A_13 = arith.constant 0 : i32
      %dma_start3A_14 = tpu.memref_slice %arg6[%add3A, %dma_start3A_13] : memref<32x10240xi32, #tpu.memory_space<hbm>> -> memref<1x10240xi32, #tpu.memory_space<hbm>>
      %dma_start3A_15 = tpu.memref_squeeze %dma_start3A_14 : memref<1x10240xi32, #tpu.memory_space<hbm>> -> memref<10240xi32, #tpu.memory_space<hbm>>
      tpu.enqueue_dma source(%dma_start3A_15 : memref<10240xi32, #tpu.memory_space<hbm>>) target(%arg12 : memref<10240xi32, #tpu.memory_space<vmem>>) target_semaphore(%run_scoped3A_10 : memref<!tpu.dma_semaphore, #tpu.memory_space<semaphore_mem>>)
      %dma_wait3A = arith.constant 0 : i32
      %dma_wait3A_16 = tpu.memref_slice %arg6[%add3A, %dma_wait3A] : memref<32x10240xi32, #tpu.memory_space<hbm>> -> memref<1x10240xi32, #tpu.memory_space<hbm>>
      %dma_wait3A_17 = tpu.memref_squeeze %dma_wait3A_16 : memref<1x10240xi32, #tpu.memory_space<hbm>> -> memref<10240xi32, #tpu.memory_space<hbm>>
      %dma_wait3A_18 = arith.constant 0 : i32
      %dma_wait3A_19 = tpu.memref_slice %arg6[%add3A, %dma_wait3A_18] : memref<32x10240xi32, #tpu.memory_space<hbm>> -> memref<1x10240xi32, #tpu.memory_space<hbm>>
      %dma_wait3A_20 = tpu.memref_squeeze %dma_wait3A_19 : memref<1x10240xi32, #tpu.memory_space<hbm>> -> memref<10240xi32, #tpu.memory_space<hbm>>
      tpu.wait_dma2 semaphore(%run_scoped3A_10 : memref<!tpu.dma_semaphore, #tpu.memory_space<semaphore_mem>>) src(%dma_wait3A_20 : memref<10240xi32, #tpu.memory_space<hbm>>) dst(%arg12 : memref<10240xi32, #tpu.memory_space<vmem>>)
      tpu.yield
    }) : () -> ()
    %scan3A = arith.constant 0 : i32
    %scan3A_1 = arith.constant 0 : i32
    %scan3A_2 = arith.constant 640 : i32
    %scan3A_3 = arith.addi %scan3A_1, %scan3A_2 : i32
    %scan3A_4 = arith.constant 1 : i32
    scf.for %scan3A_10 = %scan3A_1 to %scan3A_3 step %scan3A_4  : i32 {
      %mul3A_11 = arith.constant 16 : i32
      %mul3A_12 = arith.muli %scan3A_10, %mul3A_11 : i32
      %get3A = arith.index_cast %mul3A_12 : i32 to index
      %get3A_13 = tpu.vector_load %arg11[%get3A] {strides = array<i32>} : memref<10240xi32, #tpu.memory_space<vmem>>, vector<16xi32>,
      %get3A_14 = arith.index_cast %mul3A_12 : i32 to index
      %get3A_15 = tpu.vector_load %arg12[%get3A_14] {strides = array<i32>} : memref<10240xi32, #tpu.memory_space<vmem>>, vector<16xi32>,
      %gather3A = tpu.vector_load_idx %arg8[%get3A_13] : memref<10112xf32, #tpu.memory_space<vmem>>[vector<16xi32>], vector<16xf32>,
      %gather3A_16 = tpu.vector_load_idx %arg8[%get3A_15] : memref<10112xf32, #tpu.memory_space<vmem>>[vector<16xi32>], vector<16xf32>,
      %sub3A = arith.subf %gather3A, %gather3A_16 : vector<16xf32>
      %swap3A = arith.index_cast %mul3A_12 : i32 to index
      %swap3A_17 = tpu.vector_load %arg13[%swap3A] {strides = array<i32>} : memref<10240xf32, #tpu.memory_space<vmem>>, vector<16xf32>,
      tpu.vector_store %arg13[%swap3A], %sub3A {strides = array<i32>} : memref<10240xf32, #tpu.memory_space<vmem>>, vector<16xf32>,
      %gather3A_18 = tpu.vector_load_idx %arg9[%get3A_13] : memref<10112xf32, #tpu.memory_space<vmem>>[vector<16xi32>], vector<16xf32>,
      %gather3A_19 = tpu.vector_load_idx %arg9[%get3A_15] : memref<10112xf32, #tpu.memory_space<vmem>>[vector<16xi32>], vector<16xf32>,
      %sub3A_20 = arith.subf %gather3A_18, %gather3A_19 : vector<16xf32>
      %swap3A_21 = arith.index_cast %mul3A_12 : i32 to index
      %swap3A_22 = tpu.vector_load %arg14[%swap3A_21] {strides = array<i32>} : memref<10240xf32, #tpu.memory_space<vmem>>, vector<16xf32>,
      tpu.vector_store %arg14[%swap3A_21], %sub3A_20 {strides = array<i32>} : memref<10240xf32, #tpu.memory_space<vmem>>, vector<16xf32>,
      %gather3A_23 = tpu.vector_load_idx %arg10[%get3A_13] : memref<10112xf32, #tpu.memory_space<vmem>>[vector<16xi32>], vector<16xf32>,
      %gather3A_24 = tpu.vector_load_idx %arg10[%get3A_15] : memref<10112xf32, #tpu.memory_space<vmem>>[vector<16xi32>], vector<16xf32>,
      %sub3A_25 = arith.subf %gather3A_23, %gather3A_24 : vector<16xf32>
      %swap3A_26 = arith.index_cast %mul3A_12 : i32 to index
      %swap3A_27 = tpu.vector_load %arg15[%swap3A_26] {strides = array<i32>} : memref<10240xf32, #tpu.memory_space<vmem>>, vector<16xf32>,
      tpu.vector_store %arg15[%swap3A_26], %sub3A_25 {strides = array<i32>} : memref<10240xf32, #tpu.memory_space<vmem>>, vector<16xf32>,
    }
    %scan3A_5 = arith.constant 640 : i32
    %mul3A_6 = arith.constant 10240 : i32
    %mul3A_7 = arith.muli %add3A, %mul3A_6 : i32
    %multiple_of3A = tpu.assume_multiple %mul3A_7, 128 : i32
    %run_scoped3A = arith.constant 0 : i32
    "tpu.region"() ({
      %run_scoped3A_10 = tpu.sem_alloc : memref<!tpu.dma_semaphore, #tpu.memory_space<semaphore_mem>>
      %dma_start3A = tpu.memref_slice %arg7[%run_scoped3A, %multiple_of3A] : memref<3x327680xf32, #tpu.memory_space<hbm>> -> memref<1x10240xf32, #tpu.memory_space<hbm>>
      %dma_start3A_11 = tpu.memref_squeeze %dma_start3A : memref<1x10240xf32, #tpu.memory_space<hbm>> -> memref<10240xf32, #tpu.memory_space<hbm>>
      %dma_start3A_12 = tpu.memref_slice %arg7[%run_scoped3A, %multiple_of3A] : memref<3x327680xf32, #tpu.memory_space<hbm>> -> memref<1x10240xf32, #tpu.memory_space<hbm>>
      %dma_start3A_13 = tpu.memref_squeeze %dma_start3A_12 : memref<1x10240xf32, #tpu.memory_space<hbm>> -> memref<10240xf32, #tpu.memory_space<hbm>>
      tpu.enqueue_dma source(%arg13 : memref<10240xf32, #tpu.memory_space<vmem>>) target(%dma_start3A_13 : memref<10240xf32, #tpu.memory_space<hbm>>) target_semaphore(%run_scoped3A_10 : memref<!tpu.dma_semaphore, #tpu.memory_space<semaphore_mem>>)
      %dma_wait3A = tpu.memref_slice %arg7[%run_scoped3A, %multiple_of3A] : memref<3x327680xf32, #tpu.memory_space<hbm>> -> memref<1x10240xf32, #tpu.memory_space<hbm>>
      %dma_wait3A_14 = tpu.memref_squeeze %dma_wait3A : memref<1x10240xf32, #tpu.memory_space<hbm>> -> memref<10240xf32, #tpu.memory_space<hbm>>
      %dma_wait3A_15 = tpu.memref_slice %arg7[%run_scoped3A, %multiple_of3A] : memref<3x327680xf32, #tpu.memory_space<hbm>> -> memref<1x10240xf32, #tpu.memory_space<hbm>>
      %dma_wait3A_16 = tpu.memref_squeeze %dma_wait3A_15 : memref<1x10240xf32, #tpu.memory_space<hbm>> -> memref<10240xf32, #tpu.memory_space<hbm>>
      tpu.wait_dma2 semaphore(%run_scoped3A_10 : memref<!tpu.dma_semaphore, #tpu.memory_space<semaphore_mem>>) src(%arg13 : memref<10240xf32, #tpu.memory_space<vmem>>) dst(%dma_wait3A_16 : memref<10240xf32, #tpu.memory_space<hbm>>)
      tpu.yield
    }) : () -> ()
    %run_scoped3A_8 = arith.constant 1 : i32
    "tpu.region"() ({
      %run_scoped3A_10 = tpu.sem_alloc : memref<!tpu.dma_semaphore, #tpu.memory_space<semaphore_mem>>
      %dma_start3A = tpu.memref_slice %arg7[%run_scoped3A_8, %multiple_of3A] : memref<3x327680xf32, #tpu.memory_space<hbm>> -> memref<1x10240xf32, #tpu.memory_space<hbm>>
      %dma_start3A_11 = tpu.memref_squeeze %dma_start3A : memref<1x10240xf32, #tpu.memory_space<hbm>> -> memref<10240xf32, #tpu.memory_space<hbm>>
      %dma_start3A_12 = tpu.memref_slice %arg7[%run_scoped3A_8, %multiple_of3A] : memref<3x327680xf32, #tpu.memory_space<hbm>> -> memref<1x10240xf32, #tpu.memory_space<hbm>>
      %dma_start3A_13 = tpu.memref_squeeze %dma_start3A_12 : memref<1x10240xf32, #tpu.memory_space<hbm>> -> memref<10240xf32, #tpu.memory_space<hbm>>
      tpu.enqueue_dma source(%arg14 : memref<10240xf32, #tpu.memory_space<vmem>>) target(%dma_start3A_13 : memref<10240xf32, #tpu.memory_space<hbm>>) target_semaphore(%run_scoped3A_10 : memref<!tpu.dma_semaphore, #tpu.memory_space<semaphore_mem>>)
      %dma_wait3A = tpu.memref_slice %arg7[%run_scoped3A_8, %multiple_of3A] : memref<3x327680xf32, #tpu.memory_space<hbm>> -> memref<1x10240xf32, #tpu.memory_space<hbm>>
      %dma_wait3A_14 = tpu.memref_squeeze %dma_wait3A : memref<1x10240xf32, #tpu.memory_space<hbm>> -> memref<10240xf32, #tpu.memory_space<hbm>>
      %dma_wait3A_15 = tpu.memref_slice %arg7[%run_scoped3A_8, %multiple_of3A] : memref<3x327680xf32, #tpu.memory_space<hbm>> -> memref<1x10240xf32, #tpu.memory_space<hbm>>
      %dma_wait3A_16 = tpu.memref_squeeze %dma_wait3A_15 : memref<1x10240xf32, #tpu.memory_space<hbm>> -> memref<10240xf32, #tpu.memory_space<hbm>>
      tpu.wait_dma2 semaphore(%run_scoped3A_10 : memref<!tpu.dma_semaphore, #tpu.memory_space<semaphore_mem>>) src(%arg14 : memref<10240xf32, #tpu.memory_space<vmem>>) dst(%dma_wait3A_16 : memref<10240xf32, #tpu.memory_space<hbm>>)
      tpu.yield
    }) : () -> ()
    %run_scoped3A_9 = arith.constant 2 : i32
    "tpu.region"() ({
      %run_scoped3A_10 = tpu.sem_alloc : memref<!tpu.dma_semaphore, #tpu.memory_space<semaphore_mem>>
      %dma_start3A = tpu.memref_slice %arg7[%run_scoped3A_9, %multiple_of3A] : memref<3x327680xf32, #tpu.memory_space<hbm>> -> memref<1x10240xf32, #tpu.memory_space<hbm>>
      %dma_start3A_11 = tpu.memref_squeeze %dma_start3A : memref<1x10240xf32, #tpu.memory_space<hbm>> -> memref<10240xf32, #tpu.memory_space<hbm>>
      %dma_start3A_12 = tpu.memref_slice %arg7[%run_scoped3A_9, %multiple_of3A] : memref<3x327680xf32, #tpu.memory_space<hbm>> -> memref<1x10240xf32, #tpu.memory_space<hbm>>
      %dma_start3A_13 = tpu.memref_squeeze %dma_start3A_12 : memref<1x10240xf32, #tpu.memory_space<hbm>> -> memref<10240xf32, #tpu.memory_space<hbm>>
      tpu.enqueue_dma source(%arg15 : memref<10240xf32, #tpu.memory_space<vmem>>) target(%dma_start3A_13 : memref<10240xf32, #tpu.memory_space<hbm>>) target_semaphore(%run_scoped3A_10 : memref<!tpu.dma_semaphore, #tpu.memory_space<semaphore_mem>>)
      %dma_wait3A = tpu.memref_slice %arg7[%run_scoped3A_9, %multiple_of3A] : memref<3x327680xf32, #tpu.memory_space<hbm>> -> memref<1x10240xf32, #tpu.memory_space<hbm>>
      %dma_wait3A_14 = tpu.memref_squeeze %dma_wait3A : memref<1x10240xf32, #tpu.memory_space<hbm>> -> memref<10240xf32, #tpu.memory_space<hbm>>
      %dma_wait3A_15 = tpu.memref_slice %arg7[%run_scoped3A_9, %multiple_of3A] : memref<3x327680xf32, #tpu.memory_space<hbm>> -> memref<1x10240xf32, #tpu.memory_space<hbm>>
      %dma_wait3A_16 = tpu.memref_squeeze %dma_wait3A_15 : memref<1x10240xf32, #tpu.memory_space<hbm>> -> memref<10240xf32, #tpu.memory_space<hbm>>
      tpu.wait_dma2 semaphore(%run_scoped3A_10 : memref<!tpu.dma_semaphore, #tpu.memory_space<semaphore_mem>>) src(%arg15 : memref<10240xf32, #tpu.memory_space<vmem>>) dst(%dma_wait3A_16 : memref<10240xf32, #tpu.memory_space<hbm>>)
      tpu.yield
    }) : () -> ()
    return
  }
}

#map = affine_map<(d0, d1) -> (0, 0)>
#map1 = affine_map<(d0, d1) -> (0, 0, 0)>
module attributes {stable_mosaic.version = 14 : i64} {
  func.func @_sc_gather_mul_scatter_body(%arg0: i32, %arg1: i32, %arg2: memref<10112x32xf32, #tpu.memory_space<hbm>>, %arg3: memref<327680x128xf32, #tpu.memory_space<hbm>>, %arg4: memref<2560x128xi32, #tpu.memory_space<hbm>>, %arg5: memref<2560x128xi32, #tpu.memory_space<hbm>>, %arg6: memref<2x10112x32xf32, #tpu.memory_space<hbm>>, %arg7: memref<10112x32xf32, #tpu.memory_space<vmem_shared>>, %arg8: memref<80x128xi32, #tpu.memory_space<vmem>>, %arg9: memref<80x128xi32, #tpu.memory_space<vmem>>, %arg10: memref<128x32xf32, #tpu.memory_space<vmem>>, %arg11: memref<128x32xf32, #tpu.memory_space<vmem>>, %arg12: memref<128x32xf32, #tpu.memory_space<vmem>>, %arg13: memref<128x32xf32, #tpu.memory_space<vmem>>, %arg14: memref<632x32xf32, #tpu.memory_space<vmem>>, %arg15: memref<!tpu.dma_semaphore, #tpu.memory_space<semaphore_mem>>, %arg16: memref<!tpu.dma_semaphore, #tpu.memory_space<semaphore_mem>>) attributes {dimension_semantics = [#tpu.dimension_semantics<core_parallel>, #tpu.dimension_semantics<subcore_parallel>], iteration_bounds = array<i64: 2, 16>, scalar_prefetch = 0 : i64, scratch_operands = 10 : i64, tpu.core_type = #tpu.core_type<sc_vector_subcore>, window_params = [{transform_indices = #map}, {transform_indices = #map}, {transform_indices = #map}, {transform_indices = #map}, {transform_indices = #map1}]} {
    %mul3A = arith.constant 16 : i32
    %mul3A_0 = arith.muli %arg0, %mul3A : i32
    %add3A = arith.addi %mul3A_0, %arg1 : i32
    %broadcast_in_dim3A = arith.constant 0.000000e+00 : f32
    %broadcast_in_dim3A_1 = vector.broadcast %broadcast_in_dim3A : f32 to vector<16xf32>
    %mul3A_2 = arith.constant 632 : i32
    %mul3A_3 = arith.muli %arg1, %mul3A_2 : i32
    %multiple_of3A = tpu.assume_multiple %mul3A_3, 8 : i32
    %scan3A = arith.constant 0 : i32
    %scan3A_4 = arith.constant 0 : i32
    %scan3A_5 = arith.constant 632 : i32
    %scan3A_6 = arith.addi %scan3A_4, %scan3A_5 : i32
    %scan3A_7 = arith.constant 1 : i32
    scf.for %scan3A_38 = %scan3A_4 to %scan3A_6 step %scan3A_7  : i32 {
      %swap3A = arith.index_cast %scan3A_38 : i32 to index
      %swap3A_39 = arith.constant 0 : index
      %swap3A_40 = tpu.vector_load %arg14[%swap3A, %swap3A_39] {strides = array<i32>} : memref<632x32xf32, #tpu.memory_space<vmem>>, vector<16xf32>,
      tpu.vector_store %arg14[%swap3A, %swap3A_39], %broadcast_in_dim3A_1 {strides = array<i32>} : memref<632x32xf32, #tpu.memory_space<vmem>>, vector<16xf32>,
      %swap3A_41 = arith.index_cast %scan3A_38 : i32 to index
      %swap3A_42 = arith.constant 16 : index
      %swap3A_43 = tpu.vector_load %arg14[%swap3A_41, %swap3A_42] {strides = array<i32>} : memref<632x32xf32, #tpu.memory_space<vmem>>, vector<16xf32>,
      tpu.vector_store %arg14[%swap3A_41, %swap3A_42], %broadcast_in_dim3A_1 {strides = array<i32>} : memref<632x32xf32, #tpu.memory_space<vmem>>, vector<16xf32>,
    }
    %scan3A_8 = arith.constant 632 : i32
    "tpu.region"() ({
      %run_scoped3A = tpu.sem_alloc : memref<!tpu.dma_semaphore, #tpu.memory_space<semaphore_mem>>
      %dma_start3A_38 = arith.constant 0 : i32
      %dma_start3A_39 = tpu.memref_slice %arg7[%multiple_of3A, %dma_start3A_38] : memref<10112x32xf32, #tpu.memory_space<vmem_shared>> -> memref<632x32xf32, #tpu.memory_space<vmem_shared>>
      %dma_start3A_40 = arith.constant 0 : i32
      %dma_start3A_41 = tpu.memref_slice %arg7[%multiple_of3A, %dma_start3A_40] : memref<10112x32xf32, #tpu.memory_space<vmem_shared>> -> memref<632x32xf32, #tpu.memory_space<vmem_shared>>
      tpu.enqueue_dma source(%arg14 : memref<632x32xf32, #tpu.memory_space<vmem>>) target(%dma_start3A_41 : memref<632x32xf32, #tpu.memory_space<vmem_shared>>) target_semaphore(%run_scoped3A : memref<!tpu.dma_semaphore, #tpu.memory_space<semaphore_mem>>)
      %dma_wait3A = arith.constant 0 : i32
      %dma_wait3A_42 = tpu.memref_slice %arg7[%multiple_of3A, %dma_wait3A] : memref<10112x32xf32, #tpu.memory_space<vmem_shared>> -> memref<632x32xf32, #tpu.memory_space<vmem_shared>>
      %dma_wait3A_43 = arith.constant 0 : i32
      %dma_wait3A_44 = tpu.memref_slice %arg7[%multiple_of3A, %dma_wait3A_43] : memref<10112x32xf32, #tpu.memory_space<vmem_shared>> -> memref<632x32xf32, #tpu.memory_space<vmem_shared>>
      tpu.wait_dma2 semaphore(%run_scoped3A : memref<!tpu.dma_semaphore, #tpu.memory_space<semaphore_mem>>) src(%arg14 : memref<632x32xf32, #tpu.memory_space<vmem>>) dst(%dma_wait3A_44 : memref<632x32xf32, #tpu.memory_space<vmem_shared>>)
      tpu.yield
    }) : () -> ()
    %mul3A_9 = arith.constant 80 : i32
    %mul3A_10 = arith.muli %add3A, %mul3A_9 : i32
    %multiple_of3A_11 = tpu.assume_multiple %mul3A_10, 8 : i32
    "tpu.region"() ({
      %run_scoped3A = tpu.sem_alloc : memref<!tpu.dma_semaphore, #tpu.memory_space<semaphore_mem>>
      %dma_start3A_38 = arith.constant 0 : i32
      %dma_start3A_39 = tpu.memref_slice %arg4[%multiple_of3A_11, %dma_start3A_38] : memref<2560x128xi32, #tpu.memory_space<hbm>> -> memref<80x128xi32, #tpu.memory_space<hbm>>
      %dma_start3A_40 = arith.constant 0 : i32
      %dma_start3A_41 = tpu.memref_slice %arg4[%multiple_of3A_11, %dma_start3A_40] : memref<2560x128xi32, #tpu.memory_space<hbm>> -> memref<80x128xi32, #tpu.memory_space<hbm>>
      tpu.enqueue_dma source(%dma_start3A_41 : memref<80x128xi32, #tpu.memory_space<hbm>>) target(%arg8 : memref<80x128xi32, #tpu.memory_space<vmem>>) target_semaphore(%run_scoped3A : memref<!tpu.dma_semaphore, #tpu.memory_space<semaphore_mem>>)
      %dma_wait3A = arith.constant 0 : i32
      %dma_wait3A_42 = tpu.memref_slice %arg4[%multiple_of3A_11, %dma_wait3A] : memref<2560x128xi32, #tpu.memory_space<hbm>> -> memref<80x128xi32, #tpu.memory_space<hbm>>
      %dma_wait3A_43 = arith.constant 0 : i32
      %dma_wait3A_44 = tpu.memref_slice %arg4[%multiple_of3A_11, %dma_wait3A_43] : memref<2560x128xi32, #tpu.memory_space<hbm>> -> memref<80x128xi32, #tpu.memory_space<hbm>>
      tpu.wait_dma2 semaphore(%run_scoped3A : memref<!tpu.dma_semaphore, #tpu.memory_space<semaphore_mem>>) src(%dma_wait3A_44 : memref<80x128xi32, #tpu.memory_space<hbm>>) dst(%arg8 : memref<80x128xi32, #tpu.memory_space<vmem>>)
      tpu.yield
    }) : () -> ()
    "tpu.region"() ({
      %run_scoped3A = tpu.sem_alloc : memref<!tpu.dma_semaphore, #tpu.memory_space<semaphore_mem>>
      %dma_start3A_38 = arith.constant 0 : i32
      %dma_start3A_39 = tpu.memref_slice %arg5[%multiple_of3A_11, %dma_start3A_38] : memref<2560x128xi32, #tpu.memory_space<hbm>> -> memref<80x128xi32, #tpu.memory_space<hbm>>
      %dma_start3A_40 = arith.constant 0 : i32
      %dma_start3A_41 = tpu.memref_slice %arg5[%multiple_of3A_11, %dma_start3A_40] : memref<2560x128xi32, #tpu.memory_space<hbm>> -> memref<80x128xi32, #tpu.memory_space<hbm>>
      tpu.enqueue_dma source(%dma_start3A_41 : memref<80x128xi32, #tpu.memory_space<hbm>>) target(%arg9 : memref<80x128xi32, #tpu.memory_space<vmem>>) target_semaphore(%run_scoped3A : memref<!tpu.dma_semaphore, #tpu.memory_space<semaphore_mem>>)
      %dma_wait3A = arith.constant 0 : i32
      %dma_wait3A_42 = tpu.memref_slice %arg5[%multiple_of3A_11, %dma_wait3A] : memref<2560x128xi32, #tpu.memory_space<hbm>> -> memref<80x128xi32, #tpu.memory_space<hbm>>
      %dma_wait3A_43 = arith.constant 0 : i32
      %dma_wait3A_44 = tpu.memref_slice %arg5[%multiple_of3A_11, %dma_wait3A_43] : memref<2560x128xi32, #tpu.memory_space<hbm>> -> memref<80x128xi32, #tpu.memory_space<hbm>>
      tpu.wait_dma2 semaphore(%run_scoped3A : memref<!tpu.dma_semaphore, #tpu.memory_space<semaphore_mem>>) src(%dma_wait3A_44 : memref<80x128xi32, #tpu.memory_space<hbm>>) dst(%arg9 : memref<80x128xi32, #tpu.memory_space<vmem>>)
      tpu.yield
    }) : () -> ()
    %barrier3A = arith.constant 0 : index
    tpu.barrier barrier_id(%barrier3A)
    %mul3A_12 = arith.constant 10240 : i32
    %mul3A_13 = arith.muli %add3A, %mul3A_12 : i32
    %add3A_14 = arith.constant 0 : i32
    %add3A_15 = arith.addi %mul3A_13, %add3A_14 : i32
    %multiple_of3A_16 = tpu.assume_multiple %add3A_15, 128 : i32
    %dma_start3A = arith.constant 0 : i32
    %dma_start3A_17 = arith.constant 0 : i32
    %dma_start3A_18 = tpu.memref_slice %arg8[%dma_start3A, %dma_start3A_17] : memref<80x128xi32, #tpu.memory_space<vmem>> -> memref<1x128xi32, #tpu.memory_space<vmem>>
    %dma_start3A_19 = tpu.memref_squeeze %dma_start3A_18 : memref<1x128xi32, #tpu.memory_space<vmem>> -> memref<128xi32, #tpu.memory_space<vmem>>
    %dma_start3A_20 = arith.constant 0 : i32
    %dma_start3A_21 = arith.constant 0 : i32
    %dma_start3A_22 = tpu.memref_slice %arg2[%dma_start3A_20, %dma_start3A_21] : memref<10112x32xf32, #tpu.memory_space<hbm>> -> memref<10112x32xf32, #tpu.memory_space<hbm>>
    tpu.enqueue_indirect_dma source(%dma_start3A_22 : memref<10112x32xf32, #tpu.memory_space<hbm>>) target(%arg10 : memref<128x32xf32, #tpu.memory_space<vmem>>) offsets(%dma_start3A_19 : memref<128xi32, #tpu.memory_space<vmem>>) semaphore(%arg15 : memref<!tpu.dma_semaphore, #tpu.memory_space<semaphore_mem>>)
    %dma_start3A_23 = arith.constant 32 : i32
    %dma_start3A_24 = tpu.memref_slice %arg3[%multiple_of3A_16, %dma_start3A_23] : memref<327680x128xf32, #tpu.memory_space<hbm>> -> memref<128x32xf32, #tpu.memory_space<hbm>>
    %dma_start3A_25 = arith.constant 32 : i32
    %dma_start3A_26 = tpu.memref_slice %arg3[%multiple_of3A_16, %dma_start3A_25] : memref<327680x128xf32, #tpu.memory_space<hbm>> -> memref<128x32xf32, #tpu.memory_space<hbm>>
    tpu.enqueue_dma source(%dma_start3A_26 : memref<128x32xf32, #tpu.memory_space<hbm>>) target(%arg11 : memref<128x32xf32, #tpu.memory_space<vmem>>) target_semaphore(%arg15 : memref<!tpu.dma_semaphore, #tpu.memory_space<semaphore_mem>>)
    %scan3A_27 = arith.constant 0 : i32
    %scan3A_28 = arith.constant 0 : i32
    %scan3A_29 = arith.constant 40 : i32
    %scan3A_30 = arith.addi %scan3A_28, %scan3A_29 : i32
    %scan3A_31 = arith.constant 1 : i32
    scf.for %scan3A_38 = %scan3A_28 to %scan3A_30 step %scan3A_31  : i32 {
      %mul3A_39 = arith.constant 2 : i32
      %mul3A_40 = arith.muli %mul3A_39, %scan3A_38 : i32
      %add3A_41 = arith.constant 1 : i32
      %add3A_42 = arith.addi %mul3A_40, %add3A_41 : i32
      %mul3A_43 = arith.constant 10240 : i32
      %mul3A_44 = arith.muli %add3A, %mul3A_43 : i32
      %mul3A_45 = arith.constant 128 : i32
      %mul3A_46 = arith.muli %add3A_42, %mul3A_45 : i32
      %add3A_47 = arith.addi %mul3A_44, %mul3A_46 : i32
      %multiple_of3A_48 = tpu.assume_multiple %add3A_47, 128 : i32
      %dma_start3A_49 = arith.constant 0 : i32
      %dma_start3A_50 = tpu.memref_slice %arg8[%add3A_42, %dma_start3A_49] : memref<80x128xi32, #tpu.memory_space<vmem>> -> memref<1x128xi32, #tpu.memory_space<vmem>>
      %dma_start3A_51 = tpu.memref_squeeze %dma_start3A_50 : memref<1x128xi32, #tpu.memory_space<vmem>> -> memref<128xi32, #tpu.memory_space<vmem>>
      %dma_start3A_52 = arith.constant 0 : i32
      %dma_start3A_53 = arith.constant 0 : i32
      %dma_start3A_54 = tpu.memref_slice %arg2[%dma_start3A_52, %dma_start3A_53] : memref<10112x32xf32, #tpu.memory_space<hbm>> -> memref<10112x32xf32, #tpu.memory_space<hbm>>
      tpu.enqueue_indirect_dma source(%dma_start3A_54 : memref<10112x32xf32, #tpu.memory_space<hbm>>) target(%arg12 : memref<128x32xf32, #tpu.memory_space<vmem>>) offsets(%dma_start3A_51 : memref<128xi32, #tpu.memory_space<vmem>>) semaphore(%arg16 : memref<!tpu.dma_semaphore, #tpu.memory_space<semaphore_mem>>)
      %dma_start3A_55 = arith.constant 32 : i32
      %dma_start3A_56 = tpu.memref_slice %arg3[%multiple_of3A_48, %dma_start3A_55] : memref<327680x128xf32, #tpu.memory_space<hbm>> -> memref<128x32xf32, #tpu.memory_space<hbm>>
      %dma_start3A_57 = arith.constant 32 : i32
      %dma_start3A_58 = tpu.memref_slice %arg3[%multiple_of3A_48, %dma_start3A_57] : memref<327680x128xf32, #tpu.memory_space<hbm>> -> memref<128x32xf32, #tpu.memory_space<hbm>>
      tpu.enqueue_dma source(%dma_start3A_58 : memref<128x32xf32, #tpu.memory_space<hbm>>) target(%arg13 : memref<128x32xf32, #tpu.memory_space<vmem>>) target_semaphore(%arg16 : memref<!tpu.dma_semaphore, #tpu.memory_space<semaphore_mem>>)
      %dma_wait3A = arith.constant 0 : i32
      %dma_wait3A_59 = arith.constant 0 : i32
      %dma_wait3A_60 = tpu.memref_slice %arg3[%dma_wait3A, %dma_wait3A_59] : memref<327680x128xf32, #tpu.memory_space<hbm>> -> memref<128x32xf32, #tpu.memory_space<hbm>>
      %dma_wait3A_61 = arith.constant 0 : i32
      %dma_wait3A_62 = arith.constant 0 : i32
      %dma_wait3A_63 = tpu.memref_slice %arg3[%dma_wait3A_61, %dma_wait3A_62] : memref<327680x128xf32, #tpu.memory_space<hbm>> -> memref<128x32xf32, #tpu.memory_space<hbm>>
      tpu.wait_dma2 semaphore(%arg15 : memref<!tpu.dma_semaphore, #tpu.memory_space<semaphore_mem>>) src(%dma_wait3A_63 : memref<128x32xf32, #tpu.memory_space<hbm>>) dst(%arg10 : memref<128x32xf32, #tpu.memory_space<vmem>>)
      %dma_wait3A_64 = arith.constant 0 : i32
      %dma_wait3A_65 = arith.constant 0 : i32
      %dma_wait3A_66 = tpu.memref_slice %arg3[%dma_wait3A_64, %dma_wait3A_65] : memref<327680x128xf32, #tpu.memory_space<hbm>> -> memref<128x32xf32, #tpu.memory_space<hbm>>
      %dma_wait3A_67 = arith.constant 0 : i32
      %dma_wait3A_68 = arith.constant 0 : i32
      %dma_wait3A_69 = tpu.memref_slice %arg3[%dma_wait3A_67, %dma_wait3A_68] : memref<327680x128xf32, #tpu.memory_space<hbm>> -> memref<128x32xf32, #tpu.memory_space<hbm>>
      tpu.wait_dma2 semaphore(%arg15 : memref<!tpu.dma_semaphore, #tpu.memory_space<semaphore_mem>>) src(%dma_wait3A_69 : memref<128x32xf32, #tpu.memory_space<hbm>>) dst(%arg11 : memref<128x32xf32, #tpu.memory_space<vmem>>)
      %scan3A_70 = arith.constant 0 : i32
      %scan3A_71 = arith.constant 0 : i32
      %scan3A_72 = arith.constant 128 : i32
      %scan3A_73 = arith.addi %scan3A_71, %scan3A_72 : i32
      %scan3A_74 = arith.constant 1 : i32
      scf.for %scan3A_98 = %scan3A_71 to %scan3A_73 step %scan3A_74  : i32 {
        %get3A = arith.index_cast %scan3A_98 : i32 to index
        %get3A_99 = arith.constant 0 : index
        %get3A_100 = tpu.vector_load %arg10[%get3A, %get3A_99] {strides = array<i32>} : memref<128x32xf32, #tpu.memory_space<vmem>>, vector<16xf32>,
        %get3A_101 = arith.index_cast %scan3A_98 : i32 to index
        %get3A_102 = arith.constant 0 : index
        %get3A_103 = tpu.vector_load %arg11[%get3A_101, %get3A_102] {strides = array<i32>} : memref<128x32xf32, #tpu.memory_space<vmem>>, vector<16xf32>,
        %mul3A_104 = arith.mulf %get3A_100, %get3A_103 : vector<16xf32>
        %swap3A = arith.index_cast %scan3A_98 : i32 to index
        %swap3A_105 = arith.constant 0 : index
        %swap3A_106 = tpu.vector_load %arg10[%swap3A, %swap3A_105] {strides = array<i32>} : memref<128x32xf32, #tpu.memory_space<vmem>>, vector<16xf32>,
        tpu.vector_store %arg10[%swap3A, %swap3A_105], %mul3A_104 {strides = array<i32>} : memref<128x32xf32, #tpu.memory_space<vmem>>, vector<16xf32>,
        %get3A_107 = arith.index_cast %scan3A_98 : i32 to index
        %get3A_108 = arith.constant 16 : index
        %get3A_109 = tpu.vector_load %arg10[%get3A_107, %get3A_108] {strides = array<i32>} : memref<128x32xf32, #tpu.memory_space<vmem>>, vector<16xf32>,
        %get3A_110 = arith.index_cast %scan3A_98 : i32 to index
        %get3A_111 = arith.constant 16 : index
        %get3A_112 = tpu.vector_load %arg11[%get3A_110, %get3A_111] {strides = array<i32>} : memref<128x32xf32, #tpu.memory_space<vmem>>, vector<16xf32>,
        %mul3A_113 = arith.mulf %get3A_109, %get3A_112 : vector<16xf32>
        %swap3A_114 = arith.index_cast %scan3A_98 : i32 to index
        %swap3A_115 = arith.constant 16 : index
        %swap3A_116 = tpu.vector_load %arg10[%swap3A_114, %swap3A_115] {strides = array<i32>} : memref<128x32xf32, #tpu.memory_space<vmem>>, vector<16xf32>,
        tpu.vector_store %arg10[%swap3A_114, %swap3A_115], %mul3A_113 {strides = array<i32>} : memref<128x32xf32, #tpu.memory_space<vmem>>, vector<16xf32>,
      }
      %scan3A_75 = arith.constant 128 : i32
      "tpu.region"() ({
        %run_scoped3A = tpu.sem_alloc : memref<!tpu.dma_semaphore, #tpu.memory_space<semaphore_mem>>
        %dma_start3A_98 = arith.constant 0 : i32
        %dma_start3A_99 = tpu.memref_slice %arg9[%mul3A_40, %dma_start3A_98] : memref<80x128xi32, #tpu.memory_space<vmem>> -> memref<1x128xi32, #tpu.memory_space<vmem>>
        %dma_start3A_100 = tpu.memref_squeeze %dma_start3A_99 : memref<1x128xi32, #tpu.memory_space<vmem>> -> memref<128xi32, #tpu.memory_space<vmem>>
        %dma_start3A_101 = arith.constant 0 : i32
        %dma_start3A_102 = arith.constant 0 : i32
        %dma_start3A_103 = tpu.memref_slice %arg7[%dma_start3A_101, %dma_start3A_102] : memref<10112x32xf32, #tpu.memory_space<vmem_shared>> -> memref<10112x32xf32, #tpu.memory_space<vmem_shared>>
        tpu.enqueue_indirect_dma source(%arg10 : memref<128x32xf32, #tpu.memory_space<vmem>>) target(%dma_start3A_103 : memref<10112x32xf32, #tpu.memory_space<vmem_shared>>) offsets(%dma_start3A_100 : memref<128xi32, #tpu.memory_space<vmem>>) semaphore(%run_scoped3A : memref<!tpu.dma_semaphore, #tpu.memory_space<semaphore_mem>>) {add = true}
        %dma_wait3A_104 = arith.constant 0 : i32
        %dma_wait3A_105 = tpu.memref_slice %arg9[%mul3A_40, %dma_wait3A_104] : memref<80x128xi32, #tpu.memory_space<vmem>> -> memref<1x128xi32, #tpu.memory_space<vmem>>
        %dma_wait3A_106 = tpu.memref_squeeze %dma_wait3A_105 : memref<1x128xi32, #tpu.memory_space<vmem>> -> memref<128xi32, #tpu.memory_space<vmem>>
        %dma_wait3A_107 = arith.constant 0 : i32
        %dma_wait3A_108 = arith.constant 0 : i32
        %dma_wait3A_109 = tpu.memref_slice %arg7[%dma_wait3A_107, %dma_wait3A_108] : memref<10112x32xf32, #tpu.memory_space<vmem_shared>> -> memref<10112x32xf32, #tpu.memory_space<vmem_shared>>
        tpu.wait_indirect_dma semaphore(%run_scoped3A : memref<!tpu.dma_semaphore, #tpu.memory_space<semaphore_mem>>) src(%arg10 : memref<128x32xf32, #tpu.memory_space<vmem>>) dst(%dma_wait3A_109 : memref<10112x32xf32, #tpu.memory_space<vmem_shared>>)
        tpu.yield
      }) : () -> ()
      %lt3A = arith.constant 39 : i32
      %lt3A_76 = arith.cmpi slt, %scan3A_38, %lt3A : i32
      %convert_element_type3A = arith.extui %lt3A_76 : i1 to i32
      %cond3A = arith.constant 0 : i32
      %cond3A_77 = arith.cmpi ne, %convert_element_type3A, %cond3A : i32
      scf.if %cond3A_77 {
        %add3A_98 = arith.constant 2 : i32
        %add3A_99 = arith.addi %mul3A_40, %add3A_98 : i32
        %mul3A_100 = arith.constant 10240 : i32
        %mul3A_101 = arith.muli %add3A, %mul3A_100 : i32
        %mul3A_102 = arith.constant 128 : i32
        %mul3A_103 = arith.muli %add3A_99, %mul3A_102 : i32
        %add3A_104 = arith.addi %mul3A_101, %mul3A_103 : i32
        %multiple_of3A_105 = tpu.assume_multiple %add3A_104, 128 : i32
        %dma_start3A_106 = arith.constant 0 : i32
        %dma_start3A_107 = tpu.memref_slice %arg8[%add3A_99, %dma_start3A_106] : memref<80x128xi32, #tpu.memory_space<vmem>> -> memref<1x128xi32, #tpu.memory_space<vmem>>
        %dma_start3A_108 = tpu.memref_squeeze %dma_start3A_107 : memref<1x128xi32, #tpu.memory_space<vmem>> -> memref<128xi32, #tpu.memory_space<vmem>>
        %dma_start3A_109 = arith.constant 0 : i32
        %dma_start3A_110 = arith.constant 0 : i32
        %dma_start3A_111 = tpu.memref_slice %arg2[%dma_start3A_109, %dma_start3A_110] : memref<10112x32xf32, #tpu.memory_space<hbm>> -> memref<10112x32xf32, #tpu.memory_space<hbm>>
        tpu.enqueue_indirect_dma source(%dma_start3A_111 : memref<10112x32xf32, #tpu.memory_space<hbm>>) target(%arg10 : memref<128x32xf32, #tpu.memory_space<vmem>>) offsets(%dma_start3A_108 : memref<128xi32, #tpu.memory_space<vmem>>) semaphore(%arg15 : memref<!tpu.dma_semaphore, #tpu.memory_space<semaphore_mem>>)
        %dma_start3A_112 = arith.constant 32 : i32
        %dma_start3A_113 = tpu.memref_slice %arg3[%multiple_of3A_105, %dma_start3A_112] : memref<327680x128xf32, #tpu.memory_space<hbm>> -> memref<128x32xf32, #tpu.memory_space<hbm>>
        %dma_start3A_114 = arith.constant 32 : i32
        %dma_start3A_115 = tpu.memref_slice %arg3[%multiple_of3A_105, %dma_start3A_114] : memref<327680x128xf32, #tpu.memory_space<hbm>> -> memref<128x32xf32, #tpu.memory_space<hbm>>
        tpu.enqueue_dma source(%dma_start3A_115 : memref<128x32xf32, #tpu.memory_space<hbm>>) target(%arg11 : memref<128x32xf32, #tpu.memory_space<vmem>>) target_semaphore(%arg15 : memref<!tpu.dma_semaphore, #tpu.memory_space<semaphore_mem>>)
      } else {
      }
      %dma_wait3A_78 = arith.constant 0 : i32
      %dma_wait3A_79 = arith.constant 0 : i32
      %dma_wait3A_80 = tpu.memref_slice %arg3[%dma_wait3A_78, %dma_wait3A_79] : memref<327680x128xf32, #tpu.memory_space<hbm>> -> memref<128x32xf32, #tpu.memory_space<hbm>>
      %dma_wait3A_81 = arith.constant 0 : i32
      %dma_wait3A_82 = arith.constant 0 : i32
      %dma_wait3A_83 = tpu.memref_slice %arg3[%dma_wait3A_81, %dma_wait3A_82] : memref<327680x128xf32, #tpu.memory_space<hbm>> -> memref<128x32xf32, #tpu.memory_space<hbm>>
      tpu.wait_dma2 semaphore(%arg16 : memref<!tpu.dma_semaphore, #tpu.memory_space<semaphore_mem>>) src(%dma_wait3A_83 : memref<128x32xf32, #tpu.memory_space<hbm>>) dst(%arg12 : memref<128x32xf32, #tpu.memory_space<vmem>>)
      %dma_wait3A_84 = arith.constant 0 : i32
      %dma_wait3A_85 = arith.constant 0 : i32
      %dma_wait3A_86 = tpu.memref_slice %arg3[%dma_wait3A_84, %dma_wait3A_85] : memref<327680x128xf32, #tpu.memory_space<hbm>> -> memref<128x32xf32, #tpu.memory_space<hbm>>
      %dma_wait3A_87 = arith.constant 0 : i32
      %dma_wait3A_88 = arith.constant 0 : i32
      %dma_wait3A_89 = tpu.memref_slice %arg3[%dma_wait3A_87, %dma_wait3A_88] : memref<327680x128xf32, #tpu.memory_space<hbm>> -> memref<128x32xf32, #tpu.memory_space<hbm>>
      tpu.wait_dma2 semaphore(%arg16 : memref<!tpu.dma_semaphore, #tpu.memory_space<semaphore_mem>>) src(%dma_wait3A_89 : memref<128x32xf32, #tpu.memory_space<hbm>>) dst(%arg13 : memref<128x32xf32, #tpu.memory_space<vmem>>)
      %scan3A_90 = arith.constant 0 : i32
      %scan3A_91 = arith.constant 0 : i32
      %scan3A_92 = arith.constant 128 : i32
      %scan3A_93 = arith.addi %scan3A_91, %scan3A_92 : i32
      %scan3A_94 = arith.constant 1 : i32
      scf.for %scan3A_98 = %scan3A_91 to %scan3A_93 step %scan3A_94  : i32 {
        %get3A = arith.index_cast %scan3A_98 : i32 to index
        %get3A_99 = arith.constant 0 : index
        %get3A_100 = tpu.vector_load %arg12[%get3A, %get3A_99] {strides = array<i32>} : memref<128x32xf32, #tpu.memory_space<vmem>>, vector<16xf32>,
        %get3A_101 = arith.index_cast %scan3A_98 : i32 to index
        %get3A_102 = arith.constant 0 : index
        %get3A_103 = tpu.vector_load %arg13[%get3A_101, %get3A_102] {strides = array<i32>} : memref<128x32xf32, #tpu.memory_space<vmem>>, vector<16xf32>,
        %mul3A_104 = arith.mulf %get3A_100, %get3A_103 : vector<16xf32>
        %swap3A = arith.index_cast %scan3A_98 : i32 to index
        %swap3A_105 = arith.constant 0 : index
        %swap3A_106 = tpu.vector_load %arg12[%swap3A, %swap3A_105] {strides = array<i32>} : memref<128x32xf32, #tpu.memory_space<vmem>>, vector<16xf32>,
        tpu.vector_store %arg12[%swap3A, %swap3A_105], %mul3A_104 {strides = array<i32>} : memref<128x32xf32, #tpu.memory_space<vmem>>, vector<16xf32>,
        %get3A_107 = arith.index_cast %scan3A_98 : i32 to index
        %get3A_108 = arith.constant 16 : index
        %get3A_109 = tpu.vector_load %arg12[%get3A_107, %get3A_108] {strides = array<i32>} : memref<128x32xf32, #tpu.memory_space<vmem>>, vector<16xf32>,
        %get3A_110 = arith.index_cast %scan3A_98 : i32 to index
        %get3A_111 = arith.constant 16 : index
        %get3A_112 = tpu.vector_load %arg13[%get3A_110, %get3A_111] {strides = array<i32>} : memref<128x32xf32, #tpu.memory_space<vmem>>, vector<16xf32>,
        %mul3A_113 = arith.mulf %get3A_109, %get3A_112 : vector<16xf32>
        %swap3A_114 = arith.index_cast %scan3A_98 : i32 to index
        %swap3A_115 = arith.constant 16 : index
        %swap3A_116 = tpu.vector_load %arg12[%swap3A_114, %swap3A_115] {strides = array<i32>} : memref<128x32xf32, #tpu.memory_space<vmem>>, vector<16xf32>,
        tpu.vector_store %arg12[%swap3A_114, %swap3A_115], %mul3A_113 {strides = array<i32>} : memref<128x32xf32, #tpu.memory_space<vmem>>, vector<16xf32>,
      }
      %scan3A_95 = arith.constant 128 : i32
      %add3A_96 = arith.constant 1 : i32
      %add3A_97 = arith.addi %mul3A_40, %add3A_96 : i32
      "tpu.region"() ({
        %run_scoped3A = tpu.sem_alloc : memref<!tpu.dma_semaphore, #tpu.memory_space<semaphore_mem>>
        %dma_start3A_98 = arith.constant 0 : i32
        %dma_start3A_99 = tpu.memref_slice %arg9[%add3A_97, %dma_start3A_98] : memref<80x128xi32, #tpu.memory_space<vmem>> -> memref<1x128xi32, #tpu.memory_space<vmem>>
        %dma_start3A_100 = tpu.memref_squeeze %dma_start3A_99 : memref<1x128xi32, #tpu.memory_space<vmem>> -> memref<128xi32, #tpu.memory_space<vmem>>
        %dma_start3A_101 = arith.constant 0 : i32
        %dma_start3A_102 = arith.constant 0 : i32
        %dma_start3A_103 = tpu.memref_slice %arg7[%dma_start3A_101, %dma_start3A_102] : memref<10112x32xf32, #tpu.memory_space<vmem_shared>> -> memref<10112x32xf32, #tpu.memory_space<vmem_shared>>
        tpu.enqueue_indirect_dma source(%arg12 : memref<128x32xf32, #tpu.memory_space<vmem>>) target(%dma_start3A_103 : memref<10112x32xf32, #tpu.memory_space<vmem_shared>>) offsets(%dma_start3A_100 : memref<128xi32, #tpu.memory_space<vmem>>) semaphore(%run_scoped3A : memref<!tpu.dma_semaphore, #tpu.memory_space<semaphore_mem>>) {add = true}
        %dma_wait3A_104 = arith.constant 0 : i32
        %dma_wait3A_105 = tpu.memref_slice %arg9[%add3A_97, %dma_wait3A_104] : memref<80x128xi32, #tpu.memory_space<vmem>> -> memref<1x128xi32, #tpu.memory_space<vmem>>
        %dma_wait3A_106 = tpu.memref_squeeze %dma_wait3A_105 : memref<1x128xi32, #tpu.memory_space<vmem>> -> memref<128xi32, #tpu.memory_space<vmem>>
        %dma_wait3A_107 = arith.constant 0 : i32
        %dma_wait3A_108 = arith.constant 0 : i32
        %dma_wait3A_109 = tpu.memref_slice %arg7[%dma_wait3A_107, %dma_wait3A_108] : memref<10112x32xf32, #tpu.memory_space<vmem_shared>> -> memref<10112x32xf32, #tpu.memory_space<vmem_shared>>
        tpu.wait_indirect_dma semaphore(%run_scoped3A : memref<!tpu.dma_semaphore, #tpu.memory_space<semaphore_mem>>) src(%arg12 : memref<128x32xf32, #tpu.memory_space<vmem>>) dst(%dma_wait3A_109 : memref<10112x32xf32, #tpu.memory_space<vmem_shared>>)
        tpu.yield
      }) : () -> ()
    }
    %scan3A_32 = arith.constant 40 : i32
    %barrier3A_33 = arith.constant 0 : index
    tpu.barrier barrier_id(%barrier3A_33)
    %mul3A_34 = arith.constant 632 : i32
    %mul3A_35 = arith.muli %arg1, %mul3A_34 : i32
    "tpu.region"() ({
      %run_scoped3A = tpu.sem_alloc : memref<!tpu.dma_semaphore, #tpu.memory_space<semaphore_mem>>
      %dma_start3A_38 = arith.constant 0 : i32
      %dma_start3A_39 = tpu.memref_slice %arg7[%mul3A_35, %dma_start3A_38] : memref<10112x32xf32, #tpu.memory_space<vmem_shared>> -> memref<632x32xf32, #tpu.memory_space<vmem_shared>>
      %dma_start3A_40 = arith.constant 0 : i32
      %dma_start3A_41 = tpu.memref_slice %arg7[%mul3A_35, %dma_start3A_40] : memref<10112x32xf32, #tpu.memory_space<vmem_shared>> -> memref<632x32xf32, #tpu.memory_space<vmem_shared>>
      tpu.enqueue_dma source(%dma_start3A_41 : memref<632x32xf32, #tpu.memory_space<vmem_shared>>) target(%arg14 : memref<632x32xf32, #tpu.memory_space<vmem>>) target_semaphore(%run_scoped3A : memref<!tpu.dma_semaphore, #tpu.memory_space<semaphore_mem>>)
      %dma_wait3A = arith.constant 0 : i32
      %dma_wait3A_42 = tpu.memref_slice %arg7[%mul3A_35, %dma_wait3A] : memref<10112x32xf32, #tpu.memory_space<vmem_shared>> -> memref<632x32xf32, #tpu.memory_space<vmem_shared>>
      %dma_wait3A_43 = arith.constant 0 : i32
      %dma_wait3A_44 = tpu.memref_slice %arg7[%mul3A_35, %dma_wait3A_43] : memref<10112x32xf32, #tpu.memory_space<vmem_shared>> -> memref<632x32xf32, #tpu.memory_space<vmem_shared>>
      tpu.wait_dma2 semaphore(%run_scoped3A : memref<!tpu.dma_semaphore, #tpu.memory_space<semaphore_mem>>) src(%dma_wait3A_44 : memref<632x32xf32, #tpu.memory_space<vmem_shared>>) dst(%arg14 : memref<632x32xf32, #tpu.memory_space<vmem>>)
      tpu.yield
    }) : () -> ()
    %mul3A_36 = arith.constant 632 : i32
    %mul3A_37 = arith.muli %arg1, %mul3A_36 : i32
    "tpu.region"() ({
      %run_scoped3A = tpu.sem_alloc : memref<!tpu.dma_semaphore, #tpu.memory_space<semaphore_mem>>
      %dma_start3A_38 = arith.constant 0 : i32
      %dma_start3A_39 = tpu.memref_slice %arg6[%arg0, %mul3A_37, %dma_start3A_38] : memref<2x10112x32xf32, #tpu.memory_space<hbm>> -> memref<1x632x32xf32, #tpu.memory_space<hbm>>
      %dma_start3A_40 = tpu.memref_squeeze %dma_start3A_39 : memref<1x632x32xf32, #tpu.memory_space<hbm>> -> memref<632x32xf32, #tpu.memory_space<hbm>>
      %dma_start3A_41 = arith.constant 0 : i32
      %dma_start3A_42 = tpu.memref_slice %arg6[%arg0, %mul3A_37, %dma_start3A_41] : memref<2x10112x32xf32, #tpu.memory_space<hbm>> -> memref<1x632x32xf32, #tpu.memory_space<hbm>>
      %dma_start3A_43 = tpu.memref_squeeze %dma_start3A_42 : memref<1x632x32xf32, #tpu.memory_space<hbm>> -> memref<632x32xf32, #tpu.memory_space<hbm>>
      tpu.enqueue_dma source(%arg14 : memref<632x32xf32, #tpu.memory_space<vmem>>) target(%dma_start3A_43 : memref<632x32xf32, #tpu.memory_space<hbm>>) target_semaphore(%run_scoped3A : memref<!tpu.dma_semaphore, #tpu.memory_space<semaphore_mem>>)
      %dma_wait3A = arith.constant 0 : i32
      %dma_wait3A_44 = tpu.memref_slice %arg6[%arg0, %mul3A_37, %dma_wait3A] : memref<2x10112x32xf32, #tpu.memory_space<hbm>> -> memref<1x632x32xf32, #tpu.memory_space<hbm>>
      %dma_wait3A_45 = tpu.memref_squeeze %dma_wait3A_44 : memref<1x632x32xf32, #tpu.memory_space<hbm>> -> memref<632x32xf32, #tpu.memory_space<hbm>>
      %dma_wait3A_46 = arith.constant 0 : i32
      %dma_wait3A_47 = tpu.memref_slice %arg6[%arg0, %mul3A_37, %dma_wait3A_46] : memref<2x10112x32xf32, #tpu.memory_space<hbm>> -> memref<1x632x32xf32, #tpu.memory_space<hbm>>
      %dma_wait3A_48 = tpu.memref_squeeze %dma_wait3A_47 : memref<1x632x32xf32, #tpu.memory_space<hbm>> -> memref<632x32xf32, #tpu.memory_space<hbm>>
      tpu.wait_dma2 semaphore(%run_scoped3A : memref<!tpu.dma_semaphore, #tpu.memory_space<semaphore_mem>>) src(%arg14 : memref<632x32xf32, #tpu.memory_space<vmem>>) dst(%dma_wait3A_48 : memref<632x32xf32, #tpu.memory_space<hbm>>)
      tpu.yield
    }) : () -> ()
    return
  }
}

module attributes {stable_mosaic.version = 14 : i64} {
  func.func @_tc_edge_body(%arg0: i32, %arg1: memref<3x2048xf32, #tpu.memory_space<vmem>>, %arg2: memref<1x300xf32, #tpu.memory_space<vmem>>, %arg3: memref<1x300xf32, #tpu.memory_space<vmem>>, %arg4: memref<300x96xf32, #tpu.memory_space<vmem>>, %arg5: memref<9x96xf32, #tpu.memory_space<vmem>>, %arg6: memref<1x32xf32, #tpu.memory_space<vmem>>, %arg7: memref<2048x128xf32, #tpu.memory_space<vmem>>) attributes {dimension_semantics = [#tpu.dimension_semantics<arbitrary>], iteration_bounds = array<i64: 160>, scalar_prefetch = 0 : i64, scratch_operands = 0 : i64, tpu.core_type = #tpu.core_type<tc>, window_params = [{transform_indices = @transform_0, window_bounds = array<i64: 3, 2048>}, {pipeline_mode = #tpu.pipeline_mode<synchronous>, transform_indices = @transform_1, window_bounds = array<i64: 1, 300>}, {pipeline_mode = #tpu.pipeline_mode<synchronous>, transform_indices = @transform_2, window_bounds = array<i64: 1, 300>}, {pipeline_mode = #tpu.pipeline_mode<synchronous>, transform_indices = @transform_3, window_bounds = array<i64: 300, 96>}, {pipeline_mode = #tpu.pipeline_mode<synchronous>, transform_indices = @transform_4, window_bounds = array<i64: 9, 96>}, {pipeline_mode = #tpu.pipeline_mode<synchronous>, transform_indices = @transform_5, window_bounds = array<i64: 1, 32>}, {transform_indices = @transform_6, window_bounds = array<i64: 2048, 128>}]} {
    %get3A = arith.constant 0 : index
    %get3A_0 = arith.constant 0 : index
    %get3A_1 = vector.load %arg1[%get3A, %get3A_0] : memref<3x2048xf32, #tpu.memory_space<vmem>>, vector<1x2048xf32>
    %get3A_2 = arith.constant 1 : index
    %get3A_3 = arith.constant 0 : index
    %get3A_4 = vector.load %arg1[%get3A_2, %get3A_3] : memref<3x2048xf32, #tpu.memory_space<vmem>>, vector<1x2048xf32>
    %get3A_5 = arith.constant 2 : index
    %get3A_6 = arith.constant 0 : index
    %get3A_7 = vector.load %arg1[%get3A_5, %get3A_6] : memref<3x2048xf32, #tpu.memory_space<vmem>>, vector<1x2048xf32>
    %mul3A = arith.mulf %get3A_1, %get3A_1 : vector<1x2048xf32>
    %mul3A_8 = arith.mulf %get3A_4, %get3A_4 : vector<1x2048xf32>
    %add3A = arith.addf %mul3A, %mul3A_8 : vector<1x2048xf32>
    %mul3A_9 = arith.mulf %get3A_7, %get3A_7 : vector<1x2048xf32>
    %add3A_10 = arith.addf %add3A, %mul3A_9 : vector<1x2048xf32>
    %sqrt3A = math.sqrt %add3A_10 : vector<1x2048xf32>
    %add3A_11 = arith.constant 9.99999971E-10 : f32
    %add3A_12 = vector.broadcast %add3A_11 : f32 to vector<1x2048xf32>
    %add3A_13 = arith.addf %sqrt3A, %add3A_12 : vector<1x2048xf32>
    %div3A = arith.constant 1.000000e+00 : f32
    %div3A_14 = vector.broadcast %div3A : f32 to vector<1x2048xf32>
    %div3A_15 = arith.divf %div3A_14, %add3A_13 : vector<1x2048xf32>
    %mul3A_16 = arith.mulf %get3A_1, %div3A_15 : vector<1x2048xf32>
    %mul3A_17 = arith.mulf %get3A_4, %div3A_15 : vector<1x2048xf32>
    %mul3A_18 = arith.mulf %get3A_7, %div3A_15 : vector<1x2048xf32>
    %mul3A_19 = arith.constant 2.000000e-01 : f32
    %mul3A_20 = vector.broadcast %mul3A_19 : f32 to vector<1x2048xf32>
    %mul3A_21 = arith.mulf %sqrt3A, %mul3A_20 : vector<1x2048xf32>
    %jit3A = arith.constant 0.000000e+00 : f32
    %jit3A_22 = arith.constant 1.000000e+00 : f32
    %max3A = vector.broadcast %jit3A : f32 to vector<1x2048xf32>
    %max3A_23 = arith.maximumf %max3A, %mul3A_21 : vector<1x2048xf32>
    %min3A = vector.broadcast %jit3A_22 : f32 to vector<1x2048xf32>
    %min3A_24 = arith.minimumf %min3A, %max3A_23 : vector<1x2048xf32>
    %mul3A_25 = arith.constant 1.57079637 : f32
    %mul3A_26 = vector.broadcast %mul3A_25 : f32 to vector<1x2048xf32>
    %mul3A_27 = arith.mulf %mul3A_26, %min3A_24 : vector<1x2048xf32>
    %mul3A_28 = arith.mulf %mul3A_27, %mul3A_27 : vector<1x2048xf32>
    %mul3A_29 = arith.constant -2.755732E-7 : f32
    %mul3A_30 = vector.broadcast %mul3A_29 : f32 to vector<1x2048xf32>
    %mul3A_31 = arith.mulf %mul3A_28, %mul3A_30 : vector<1x2048xf32>
    %add3A_32 = arith.constant 2.48015876E-5 : f32
    %add3A_33 = vector.broadcast %add3A_32 : f32 to vector<1x2048xf32>
    %add3A_34 = arith.addf %add3A_33, %mul3A_31 : vector<1x2048xf32>
    %mul3A_35 = arith.mulf %mul3A_28, %add3A_34 : vector<1x2048xf32>
    %add3A_36 = arith.constant -0.00138888892 : f32
    %add3A_37 = vector.broadcast %add3A_36 : f32 to vector<1x2048xf32>
    %add3A_38 = arith.addf %add3A_37, %mul3A_35 : vector<1x2048xf32>
    %mul3A_39 = arith.mulf %mul3A_28, %add3A_38 : vector<1x2048xf32>
    %add3A_40 = arith.constant 0.0416666679 : f32
    %add3A_41 = vector.broadcast %add3A_40 : f32 to vector<1x2048xf32>
    %add3A_42 = arith.addf %add3A_41, %mul3A_39 : vector<1x2048xf32>
    %mul3A_43 = arith.mulf %mul3A_28, %add3A_42 : vector<1x2048xf32>
    %add3A_44 = arith.constant -5.000000e-01 : f32
    %add3A_45 = vector.broadcast %add3A_44 : f32 to vector<1x2048xf32>
    %add3A_46 = arith.addf %add3A_45, %mul3A_43 : vector<1x2048xf32>
    %mul3A_47 = arith.mulf %mul3A_28, %add3A_46 : vector<1x2048xf32>
    %add3A_48 = arith.constant 1.000000e+00 : f32
    %add3A_49 = vector.broadcast %add3A_48 : f32 to vector<1x2048xf32>
    %add3A_50 = arith.addf %add3A_49, %mul3A_47 : vector<1x2048xf32>
    %broadcast_in_dim3A = arith.constant 1.000000e+00 : f32
    %broadcast_in_dim3A_51 = vector.broadcast %broadcast_in_dim3A : f32 to vector<1x2048xf32>
    %mul3A_52 = arith.constant 1.73205078 : f32
    %mul3A_53 = vector.broadcast %mul3A_52 : f32 to vector<1x2048xf32>
    %mul3A_54 = arith.mulf %mul3A_53, %mul3A_16 : vector<1x2048xf32>
    %mul3A_55 = arith.constant 1.73205078 : f32
    %mul3A_56 = vector.broadcast %mul3A_55 : f32 to vector<1x2048xf32>
    %mul3A_57 = arith.mulf %mul3A_56, %mul3A_17 : vector<1x2048xf32>
    %mul3A_58 = arith.constant 1.73205078 : f32
    %mul3A_59 = vector.broadcast %mul3A_58 : f32 to vector<1x2048xf32>
    %mul3A_60 = arith.mulf %mul3A_59, %mul3A_18 : vector<1x2048xf32>
    %mul3A_61 = arith.constant 3.87298346 : f32
    %mul3A_62 = vector.broadcast %mul3A_61 : f32 to vector<1x2048xf32>
    %mul3A_63 = arith.mulf %mul3A_62, %mul3A_16 : vector<1x2048xf32>
    %mul3A_64 = arith.mulf %mul3A_63, %mul3A_17 : vector<1x2048xf32>
    %mul3A_65 = arith.constant 3.87298346 : f32
    %mul3A_66 = vector.broadcast %mul3A_65 : f32 to vector<1x2048xf32>
    %mul3A_67 = arith.mulf %mul3A_66, %mul3A_17 : vector<1x2048xf32>
    %mul3A_68 = arith.mulf %mul3A_67, %mul3A_18 : vector<1x2048xf32>
    %mul3A_69 = arith.constant 3.000000e+00 : f32
    %mul3A_70 = vector.broadcast %mul3A_69 : f32 to vector<1x2048xf32>
    %mul3A_71 = arith.mulf %mul3A_70, %mul3A_18 : vector<1x2048xf32>
    %mul3A_72 = arith.mulf %mul3A_71, %mul3A_18 : vector<1x2048xf32>
    %sub3A = arith.constant 1.000000e+00 : f32
    %sub3A_73 = vector.broadcast %sub3A : f32 to vector<1x2048xf32>
    %sub3A_74 = arith.subf %mul3A_72, %sub3A_73 : vector<1x2048xf32>
    %mul3A_75 = arith.constant 1.11803401 : f32
    %mul3A_76 = vector.broadcast %mul3A_75 : f32 to vector<1x2048xf32>
    %mul3A_77 = arith.mulf %mul3A_76, %sub3A_74 : vector<1x2048xf32>
    %mul3A_78 = arith.constant 3.87298346 : f32
    %mul3A_79 = vector.broadcast %mul3A_78 : f32 to vector<1x2048xf32>
    %mul3A_80 = arith.mulf %mul3A_79, %mul3A_16 : vector<1x2048xf32>
    %mul3A_81 = arith.mulf %mul3A_80, %mul3A_18 : vector<1x2048xf32>
    %mul3A_82 = arith.mulf %mul3A_16, %mul3A_16 : vector<1x2048xf32>
    %mul3A_83 = arith.mulf %mul3A_17, %mul3A_17 : vector<1x2048xf32>
    %sub3A_84 = arith.subf %mul3A_82, %mul3A_83 : vector<1x2048xf32>
    %mul3A_85 = arith.constant 1.93649173 : f32
    %mul3A_86 = vector.broadcast %mul3A_85 : f32 to vector<1x2048xf32>
    %mul3A_87 = arith.mulf %mul3A_86, %sub3A_84 : vector<1x2048xf32>
    %concatenate3A = tpu.concatenate %broadcast_in_dim3A_51, %mul3A_54, %mul3A_57, %mul3A_60, %mul3A_64, %mul3A_68, %mul3A_77, %mul3A_81, %mul3A_87, %add3A_50 in 0 : vector<1x2048xf32>, vector<1x2048xf32>, vector<1x2048xf32>, vector<1x2048xf32>, vector<1x2048xf32>, vector<1x2048xf32>, vector<1x2048xf32>, vector<1x2048xf32>, vector<1x2048xf32>, vector<1x2048xf32> -> vector<10x2048xf32>
    %transpose3A = tpu.transpose %concatenate3A, [1, 0] : vector<10x2048xf32> -> vector<2048x10xf32>
    %slice3A = vector.extract_strided_slice %transpose3A {offsets = [0, 0], sizes = [2048, 9], strides = [1, 1]} : vector<2048x10xf32> to vector<2048x9xf32>
    %slice3A_88 = vector.extract_strided_slice %transpose3A {offsets = [0, 9], sizes = [2048, 1], strides = [1, 1]} : vector<2048x10xf32> to vector<2048x1xf32>
    %get3A_89 = arith.constant 0 : index
    %get3A_90 = arith.constant 0 : index
    %get3A_91 = vector.load %arg2[%get3A_89, %get3A_90] : memref<1x300xf32, #tpu.memory_space<vmem>>, vector<1x300xf32>
    %mul3A_92 = vector.broadcast %slice3A_88 : vector<2048x1xf32> to vector<2048x300xf32>
    %mul3A_93 = vector.broadcast %get3A_91 : vector<1x300xf32> to vector<2048x300xf32>
    %mul3A_94 = arith.mulf %mul3A_92, %mul3A_93 : vector<2048x300xf32>
    %get3A_95 = arith.constant 0 : index
    %get3A_96 = arith.constant 0 : index
    %get3A_97 = vector.load %arg3[%get3A_95, %get3A_96] : memref<1x300xf32, #tpu.memory_space<vmem>>, vector<1x300xf32>
    %add3A_98 = vector.broadcast %get3A_97 : vector<1x300xf32> to vector<2048x300xf32>
    %add3A_99 = arith.addf %mul3A_94, %add3A_98 : vector<2048x300xf32>
    %max3A_100 = arith.constant 0.000000e+00 : f32
    %max3A_101 = vector.broadcast %max3A_100 : f32 to vector<2048x300xf32>
    %max3A_102 = arith.maximumf %add3A_99, %max3A_101 : vector<2048x300xf32>
    %get3A_103 = arith.constant 0 : index
    %get3A_104 = arith.constant 0 : index
    %get3A_105 = vector.load %arg4[%get3A_103, %get3A_104] : memref<300x96xf32, #tpu.memory_space<vmem>>, vector<300x96xf32>
    %dot_general3A = arith.constant dense<0.000000e+00> : vector<2048x96xf32>
    %dot_general3A_106 = tpu.matmul %max3A_102, %get3A_105, %dot_general3A {dimension_numbers = #tpu.dot_dimension_numbers<[1], [0], [0], [1], [0, 0, 1, 1], [], []>, transpose_lhs_hint = false} : vector<2048x300xf32>, vector<300x96xf32>, vector<2048x96xf32> -> vector<2048x96xf32>
    %get3A_107 = arith.constant 0 : index
    %get3A_108 = arith.constant 0 : index
    %get3A_109 = vector.load %arg5[%get3A_107, %get3A_108] : memref<9x96xf32, #tpu.memory_space<vmem>>, vector<9x96xf32>
    %dot_general3A_110 = arith.constant dense<0.000000e+00> : vector<2048x96xf32>
    %dot_general3A_111 = tpu.matmul %slice3A, %get3A_109, %dot_general3A_110 {dimension_numbers = #tpu.dot_dimension_numbers<[1], [0], [0], [1], [0, 0, 1, 1], [], []>, transpose_lhs_hint = false} : vector<2048x9xf32>, vector<9x96xf32>, vector<2048x96xf32> -> vector<2048x96xf32>
    %mul3A_112 = arith.mulf %dot_general3A_111, %dot_general3A_106 : vector<2048x96xf32>
    %swap3A = arith.constant 0 : index
    %swap3A_113 = arith.constant 0 : index
    %swap3A_114 = vector.load %arg7[%swap3A, %swap3A_113] : memref<2048x128xf32, #tpu.memory_space<vmem>>, vector<2048x96xf32>
    tpu.vector_store %arg7[%swap3A, %swap3A_113], %mul3A_112 {strides = array<i32>} : memref<2048x128xf32, #tpu.memory_space<vmem>>, vector<2048x96xf32>,
    return
  }
  func.func @transform_0(%arg0: i32) -> (i32, i32) {
    %c0_i32 = arith.constant 0 : i32
    %c0_i32_0 = arith.constant 0 : i32
    return %c0_i32, %arg0 : i32, i32
  }
  func.func @transform_1(%arg0: i32) -> (i32, i32) {
    %c0_i32 = arith.constant 0 : i32
    %c0_i32_0 = arith.constant 0 : i32
    %c0_i32_1 = arith.constant 0 : i32
    return %c0_i32, %c0_i32_0 : i32, i32
  }
  func.func @transform_2(%arg0: i32) -> (i32, i32) {
    %c0_i32 = arith.constant 0 : i32
    %c0_i32_0 = arith.constant 0 : i32
    %c0_i32_1 = arith.constant 0 : i32
    return %c0_i32, %c0_i32_0 : i32, i32
  }
  func.func @transform_3(%arg0: i32) -> (i32, i32) {
    %c0_i32 = arith.constant 0 : i32
    %c0_i32_0 = arith.constant 0 : i32
    %c0_i32_1 = arith.constant 0 : i32
    return %c0_i32, %c0_i32_0 : i32, i32
  }
  func.func @transform_4(%arg0: i32) -> (i32, i32) {
    %c0_i32 = arith.constant 0 : i32
    %c0_i32_0 = arith.constant 0 : i32
    %c0_i32_1 = arith.constant 0 : i32
    return %c0_i32, %c0_i32_0 : i32, i32
  }
  func.func @transform_5(%arg0: i32) -> (i32, i32) {
    %c0_i32 = arith.constant 0 : i32
    %c0_i32_0 = arith.constant 0 : i32
    %c0_i32_1 = arith.constant 0 : i32
    return %c0_i32, %c0_i32_0 : i32, i32
  }
  func.func @transform_6(%arg0: i32) -> (i32, i32) {
    %c0_i32 = arith.constant 0 : i32
    %c0_i32_0 = arith.constant 0 : i32
    return %arg0, %c0_i32 : i32, i32
  }
}

module attributes {stable_mosaic.version = 14 : i64} {
  func.func @_tc_layer1_body(%arg0: i32, %arg1: memref<2x1024x32xf32, #tpu.memory_space<vmem>>, %arg2: memref<1024x1xf32, #tpu.memory_space<vmem>>, %arg3: memref<32x64xf32, #tpu.memory_space<vmem>>, %arg4: memref<1x64xf32, #tpu.memory_space<vmem>>, %arg5: memref<1x64xf32, #tpu.memory_space<vmem>>, %arg6: memref<64x32xf32, #tpu.memory_space<vmem>>, %arg7: memref<1024x64xf32, #tpu.memory_space<vmem>>, %arg8: memref<1024x32xf32, #tpu.memory_space<vmem>>) attributes {dimension_semantics = [#tpu.dimension_semantics<arbitrary>], iteration_bounds = array<i64: 10>, scalar_prefetch = 0 : i64, scratch_operands = 0 : i64, tpu.core_type = #tpu.core_type<tc>, window_params = [{transform_indices = @transform_0, window_bounds = array<i64: 2, 1024, 32>}, {transform_indices = @transform_1, window_bounds = array<i64: 1024, 1>}, {pipeline_mode = #tpu.pipeline_mode<synchronous>, transform_indices = @transform_2, window_bounds = array<i64: 32, 64>}, {pipeline_mode = #tpu.pipeline_mode<synchronous>, transform_indices = @transform_3, window_bounds = array<i64: 1, 64>}, {pipeline_mode = #tpu.pipeline_mode<synchronous>, transform_indices = @transform_4, window_bounds = array<i64: 1, 64>}, {pipeline_mode = #tpu.pipeline_mode<synchronous>, transform_indices = @transform_5, window_bounds = array<i64: 64, 32>}, {transform_indices = @transform_6, window_bounds = array<i64: 1024, 64>}, {transform_indices = @transform_7, window_bounds = array<i64: 1024, 32>}]} {
    %get3A = arith.constant 0 : index
    %get3A_0 = arith.constant 0 : index
    %get3A_1 = arith.constant 0 : index
    %get3A_2 = vector.load %arg1[%get3A, %get3A_0, %get3A_1] : memref<2x1024x32xf32, #tpu.memory_space<vmem>>, vector<1x1024x32xf32>
    %get3A_3 = vector.shape_cast %get3A_2 : vector<1x1024x32xf32> to vector<1024x32xf32>
    %get3A_4 = arith.constant 1 : index
    %get3A_5 = arith.constant 0 : index
    %get3A_6 = arith.constant 0 : index
    %get3A_7 = vector.load %arg1[%get3A_4, %get3A_5, %get3A_6] : memref<2x1024x32xf32, #tpu.memory_space<vmem>>, vector<1x1024x32xf32>
    %get3A_8 = vector.shape_cast %get3A_7 : vector<1x1024x32xf32> to vector<1024x32xf32>
    %add3A = arith.addf %get3A_3, %get3A_8 : vector<1024x32xf32>
    %get3A_9 = arith.constant 0 : index
    %get3A_10 = arith.constant 0 : index
    %get3A_11 = vector.load %arg3[%get3A_9, %get3A_10] : memref<32x64xf32, #tpu.memory_space<vmem>>, vector<32x64xf32>
    %dot_general3A = arith.constant dense<0.000000e+00> : vector<1024x64xf32>
    %dot_general3A_12 = tpu.matmul %add3A, %get3A_11, %dot_general3A {dimension_numbers = #tpu.dot_dimension_numbers<[1], [0], [0], [1], [0, 0, 1, 1], [], []>, transpose_lhs_hint = false} : vector<1024x32xf32>, vector<32x64xf32>, vector<1024x64xf32> -> vector<1024x64xf32>
    %get3A_13 = arith.constant 0 : index
    %get3A_14 = arith.constant 0 : index
    %get3A_15 = vector.load %arg4[%get3A_13, %get3A_14] : memref<1x64xf32, #tpu.memory_space<vmem>>, vector<1x64xf32>
    %add3A_16 = vector.broadcast %get3A_15 : vector<1x64xf32> to vector<1024x64xf32>
    %add3A_17 = arith.addf %dot_general3A_12, %add3A_16 : vector<1024x64xf32>
    %get3A_18 = arith.constant 0 : index
    %get3A_19 = arith.constant 0 : index
    %get3A_20 = vector.load %arg2[%get3A_18, %get3A_19] : memref<1024x1xf32, #tpu.memory_space<vmem>>, vector<1024x1xf32>
    %get3A_21 = arith.constant 0 : index
    %get3A_22 = arith.constant 0 : index
    %get3A_23 = vector.load %arg5[%get3A_21, %get3A_22] : memref<1x64xf32, #tpu.memory_space<vmem>>, vector<1x64xf32>
    %mul3A = vector.broadcast %get3A_20 : vector<1024x1xf32> to vector<1024x64xf32>
    %mul3A_24 = vector.broadcast %get3A_23 : vector<1x64xf32> to vector<1024x64xf32>
    %mul3A_25 = arith.mulf %mul3A, %mul3A_24 : vector<1024x64xf32>
    %add3A_26 = arith.addf %add3A_17, %mul3A_25 : vector<1024x64xf32>
    %tanh3A = math.tanh %add3A_26 : vector<1024x64xf32>
    %swap3A = arith.constant 0 : index
    %swap3A_27 = arith.constant 0 : index
    %swap3A_28 = vector.load %arg7[%swap3A, %swap3A_27] : memref<1024x64xf32, #tpu.memory_space<vmem>>, vector<1024x64xf32>
    tpu.vector_store %arg7[%swap3A, %swap3A_27], %tanh3A {strides = array<i32>} : memref<1024x64xf32, #tpu.memory_space<vmem>>, vector<1024x64xf32>,
    %get3A_29 = arith.constant 0 : index
    %get3A_30 = arith.constant 0 : index
    %get3A_31 = vector.load %arg6[%get3A_29, %get3A_30] : memref<64x32xf32, #tpu.memory_space<vmem>>, vector<64x32xf32>
    %dot_general3A_32 = arith.constant dense<0.000000e+00> : vector<1024x32xf32>
    %dot_general3A_33 = tpu.matmul %tanh3A, %get3A_31, %dot_general3A_32 {dimension_numbers = #tpu.dot_dimension_numbers<[1], [0], [0], [1], [0, 0, 1, 1], [], []>, transpose_lhs_hint = false} : vector<1024x64xf32>, vector<64x32xf32>, vector<1024x32xf32> -> vector<1024x32xf32>
    %swap3A_34 = arith.constant 0 : index
    %swap3A_35 = arith.constant 0 : index
    %swap3A_36 = vector.load %arg8[%swap3A_34, %swap3A_35] : memref<1024x32xf32, #tpu.memory_space<vmem>>, vector<1024x32xf32>
    tpu.vector_store %arg8[%swap3A_34, %swap3A_35], %dot_general3A_33 {strides = array<i32>} : memref<1024x32xf32, #tpu.memory_space<vmem>>, vector<1024x32xf32>,
    return
  }
  func.func @transform_0(%arg0: i32) -> (i32, i32, i32) {
    %c0_i32 = arith.constant 0 : i32
    %c0_i32_0 = arith.constant 0 : i32
    %c0_i32_1 = arith.constant 0 : i32
    return %c0_i32, %arg0, %c0_i32_0 : i32, i32, i32
  }
  func.func @transform_1(%arg0: i32) -> (i32, i32) {
    %c0_i32 = arith.constant 0 : i32
    %c0_i32_0 = arith.constant 0 : i32
    return %arg0, %c0_i32 : i32, i32
  }
  func.func @transform_2(%arg0: i32) -> (i32, i32) {
    %c0_i32 = arith.constant 0 : i32
    %c0_i32_0 = arith.constant 0 : i32
    %c0_i32_1 = arith.constant 0 : i32
    return %c0_i32, %c0_i32_0 : i32, i32
  }
  func.func @transform_3(%arg0: i32) -> (i32, i32) {
    %c0_i32 = arith.constant 0 : i32
    %c0_i32_0 = arith.constant 0 : i32
    %c0_i32_1 = arith.constant 0 : i32
    return %c0_i32, %c0_i32_0 : i32, i32
  }
  func.func @transform_4(%arg0: i32) -> (i32, i32) {
    %c0_i32 = arith.constant 0 : i32
    %c0_i32_0 = arith.constant 0 : i32
    %c0_i32_1 = arith.constant 0 : i32
    return %c0_i32, %c0_i32_0 : i32, i32
  }
  func.func @transform_5(%arg0: i32) -> (i32, i32) {
    %c0_i32 = arith.constant 0 : i32
    %c0_i32_0 = arith.constant 0 : i32
    %c0_i32_1 = arith.constant 0 : i32
    return %c0_i32, %c0_i32_0 : i32, i32
  }
  func.func @transform_6(%arg0: i32) -> (i32, i32) {
    %c0_i32 = arith.constant 0 : i32
    %c0_i32_0 = arith.constant 0 : i32
    return %arg0, %c0_i32 : i32, i32
  }
  func.func @transform_7(%arg0: i32) -> (i32, i32) {
    %c0_i32 = arith.constant 0 : i32
    %c0_i32_0 = arith.constant 0 : i32
    return %arg0, %c0_i32 : i32, i32
  }
}

module attributes {stable_mosaic.version = 14 : i64} {
  func.func @_tc_final_body(%arg0: i32, %arg1: memref<2x1024x32xf32, #tpu.memory_space<vmem>>, %arg2: memref<2x1024x32xf32, #tpu.memory_space<vmem>>, %arg3: memref<1024x64xf32, #tpu.memory_space<vmem>>, %arg4: memref<1024x1xf32, #tpu.memory_space<vmem>>, %arg5: memref<32x64xf32, #tpu.memory_space<vmem>>, %arg6: memref<64x64xf32, #tpu.memory_space<vmem>>, %arg7: memref<1x64xf32, #tpu.memory_space<vmem>>, %arg8: memref<64x32xf32, #tpu.memory_space<vmem>>, %arg9: memref<32x1xf32, #tpu.memory_space<vmem>>, %arg10: memref<64x1xf32, #tpu.memory_space<vmem>>, %arg11: memref<1x1xf32, #tpu.memory_space<vmem>>, %arg12: memref<64x32xf32, #tpu.memory_space<vmem>>, %arg13: memref<1x64xf32, #tpu.memory_space<vmem>>, %arg14: memref<1x1xf32, #tpu.memory_space<vmem>>, %arg15: memref<1x1xf32, #tpu.memory_space<vmem>>) attributes {dimension_semantics = [#tpu.dimension_semantics<arbitrary>], iteration_bounds = array<i64: 10>, scalar_prefetch = 0 : i64, scratch_operands = 0 : i64, tpu.core_type = #tpu.core_type<tc>, window_params = [{transform_indices = @transform_0, window_bounds = array<i64: 2, 1024, 32>}, {transform_indices = @transform_1, window_bounds = array<i64: 2, 1024, 32>}, {transform_indices = @transform_2, window_bounds = array<i64: 1024, 64>}, {transform_indices = @transform_3, window_bounds = array<i64: 1024, 1>}, {pipeline_mode = #tpu.pipeline_mode<synchronous>, transform_indices = @transform_4, window_bounds = array<i64: 32, 64>}, {pipeline_mode = #tpu.pipeline_mode<synchronous>, transform_indices = @transform_5, window_bounds = array<i64: 64, 64>}, {pipeline_mode = #tpu.pipeline_mode<synchronous>, transform_indices = @transform_6, window_bounds = array<i64: 1, 64>}, {pipeline_mode = #tpu.pipeline_mode<synchronous>, transform_indices = @transform_7, window_bounds = array<i64: 64, 32>}, {pipeline_mode = #tpu.pipeline_mode<synchronous>, transform_indices = @transform_8, window_bounds = array<i64: 32, 1>}, {pipeline_mode = #tpu.pipeline_mode<synchronous>, transform_indices = @transform_9, window_bounds = array<i64: 64, 1>}, {pipeline_mode = #tpu.pipeline_mode<synchronous>, transform_indices = @transform_10, window_bounds = array<i64: 1, 1>}, {pipeline_mode = #tpu.pipeline_mode<synchronous>, transform_indices = @transform_11, window_bounds = array<i64: 64, 32>}, {pipeline_mode = #tpu.pipeline_mode<synchronous>, transform_indices = @transform_12, window_bounds = array<i64: 1, 64>}, {pipeline_mode = #tpu.pipeline_mode<synchronous>, transform_indices = @transform_13, window_bounds = array<i64: 1, 1>}, {pipeline_mode = #tpu.pipeline_mode<synchronous>, transform_indices = @transform_14, window_bounds = array<i64: 1, 1>}]} {
    %get3A = arith.constant 0 : index
    %get3A_0 = arith.constant 0 : index
    %get3A_1 = arith.constant 0 : index
    %get3A_2 = vector.load %arg1[%get3A, %get3A_0, %get3A_1] : memref<2x1024x32xf32, #tpu.memory_space<vmem>>, vector<1x1024x32xf32>
    %get3A_3 = vector.shape_cast %get3A_2 : vector<1x1024x32xf32> to vector<1024x32xf32>
    %get3A_4 = arith.constant 1 : index
    %get3A_5 = arith.constant 0 : index
    %get3A_6 = arith.constant 0 : index
    %get3A_7 = vector.load %arg1[%get3A_4, %get3A_5, %get3A_6] : memref<2x1024x32xf32, #tpu.memory_space<vmem>>, vector<1x1024x32xf32>
    %get3A_8 = vector.shape_cast %get3A_7 : vector<1x1024x32xf32> to vector<1024x32xf32>
    %add3A = arith.addf %get3A_3, %get3A_8 : vector<1024x32xf32>
    %get3A_9 = arith.constant 0 : index
    %get3A_10 = arith.constant 0 : index
    %get3A_11 = vector.load %arg5[%get3A_9, %get3A_10] : memref<32x64xf32, #tpu.memory_space<vmem>>, vector<32x64xf32>
    %dot_general3A = arith.constant dense<0.000000e+00> : vector<1024x64xf32>
    %dot_general3A_12 = tpu.matmul %add3A, %get3A_11, %dot_general3A {dimension_numbers = #tpu.dot_dimension_numbers<[1], [0], [0], [1], [0, 0, 1, 1], [], []>, transpose_lhs_hint = false} : vector<1024x32xf32>, vector<32x64xf32>, vector<1024x64xf32> -> vector<1024x64xf32>
    %get3A_13 = arith.constant 0 : index
    %get3A_14 = arith.constant 0 : index
    %get3A_15 = vector.load %arg3[%get3A_13, %get3A_14] : memref<1024x64xf32, #tpu.memory_space<vmem>>, vector<1024x64xf32>
    %get3A_16 = arith.constant 0 : index
    %get3A_17 = arith.constant 0 : index
    %get3A_18 = vector.load %arg6[%get3A_16, %get3A_17] : memref<64x64xf32, #tpu.memory_space<vmem>>, vector<64x64xf32>
    %dot_general3A_19 = arith.constant dense<0.000000e+00> : vector<1024x64xf32>
    %dot_general3A_20 = tpu.matmul %get3A_15, %get3A_18, %dot_general3A_19 {dimension_numbers = #tpu.dot_dimension_numbers<[1], [0], [0], [1], [0, 0, 1, 1], [], []>, transpose_lhs_hint = false} : vector<1024x64xf32>, vector<64x64xf32>, vector<1024x64xf32> -> vector<1024x64xf32>
    %add3A_21 = arith.addf %dot_general3A_12, %dot_general3A_20 : vector<1024x64xf32>
    %get3A_22 = arith.constant 0 : index
    %get3A_23 = arith.constant 0 : index
    %get3A_24 = vector.load %arg4[%get3A_22, %get3A_23] : memref<1024x1xf32, #tpu.memory_space<vmem>>, vector<1024x1xf32>
    %get3A_25 = arith.constant 0 : index
    %get3A_26 = arith.constant 0 : index
    %get3A_27 = vector.load %arg7[%get3A_25, %get3A_26] : memref<1x64xf32, #tpu.memory_space<vmem>>, vector<1x64xf32>
    %mul3A = vector.broadcast %get3A_24 : vector<1024x1xf32> to vector<1024x64xf32>
    %mul3A_28 = vector.broadcast %get3A_27 : vector<1x64xf32> to vector<1024x64xf32>
    %mul3A_29 = arith.mulf %mul3A, %mul3A_28 : vector<1024x64xf32>
    %add3A_30 = arith.addf %add3A_21, %mul3A_29 : vector<1024x64xf32>
    %tanh3A = math.tanh %add3A_30 : vector<1024x64xf32>
    %iota3A = tpu.iota {dimensions = array<i32: 0>} : vector<1024x1xi32>
    %mul3A_31 = arith.constant 1024 : i32
    %mul3A_32 = arith.muli %arg0, %mul3A_31 : i32
    %add3A_33 = vector.broadcast %mul3A_32 : i32 to vector<1024x1xi32>
    %add3A_34 = arith.addi %iota3A, %add3A_33 : vector<1024x1xi32>
    %lt3A = arith.constant 10000 : i32
    %lt3A_35 = vector.broadcast %lt3A : i32 to vector<1024x1xi32>
    %lt3A_36 = arith.cmpi slt, %add3A_34, %lt3A_35 : vector<1024x1xi32>
    %jit3A = arith.constant 0.000000e+00 : f32
    %broadcast_in_dim3A = vector.shape_cast %lt3A_36 : vector<1024x1xi1> to vector<1024x1xi1>
    %broadcast_in_dim3A_37 = vector.broadcast %broadcast_in_dim3A : vector<1024x1xi1> to vector<1024x64xi1>
    %broadcast_in_dim3A_38 = vector.broadcast %jit3A : f32 to vector<1024x64xf32>
    %select_n3A = arith.select %broadcast_in_dim3A_37, %tanh3A, %broadcast_in_dim3A_38 : vector<1024x64xi1>, vector<1024x64xf32>
    %get3A_39 = arith.constant 0 : index
    %get3A_40 = arith.constant 0 : index
    %get3A_41 = arith.constant 0 : index
    %get3A_42 = vector.load %arg2[%get3A_39, %get3A_40, %get3A_41] : memref<2x1024x32xf32, #tpu.memory_space<vmem>>, vector<1x1024x32xf32>
    %get3A_43 = vector.shape_cast %get3A_42 : vector<1x1024x32xf32> to vector<1024x32xf32>
    %get3A_44 = arith.constant 1 : index
    %get3A_45 = arith.constant 0 : index
    %get3A_46 = arith.constant 0 : index
    %get3A_47 = vector.load %arg2[%get3A_44, %get3A_45, %get3A_46] : memref<2x1024x32xf32, #tpu.memory_space<vmem>>, vector<1x1024x32xf32>
    %get3A_48 = vector.shape_cast %get3A_47 : vector<1x1024x32xf32> to vector<1024x32xf32>
    %add3A_49 = arith.addf %get3A_43, %get3A_48 : vector<1024x32xf32>
    %jit3A_50 = arith.constant 0.000000e+00 : f32
    %broadcast_in_dim3A_51 = vector.shape_cast %lt3A_36 : vector<1024x1xi1> to vector<1024x1xi1>
    %broadcast_in_dim3A_52 = vector.broadcast %broadcast_in_dim3A_51 : vector<1024x1xi1> to vector<1024x32xi1>
    %broadcast_in_dim3A_53 = vector.broadcast %jit3A_50 : f32 to vector<1024x32xf32>
    %select_n3A_54 = arith.select %broadcast_in_dim3A_52, %add3A_49, %broadcast_in_dim3A_53 : vector<1024x32xi1>, vector<1024x32xf32>
    %dot_general3A_55 = arith.constant dense<0.000000e+00> : vector<64x32xf32>
    %dot_general3A_56 = tpu.matmul %select_n3A, %select_n3A_54, %dot_general3A_55 {dimension_numbers = #tpu.dot_dimension_numbers<[0], [0], [1], [1], [0, 1, 1, 1], [], []>, transpose_lhs_hint = false} : vector<1024x64xf32>, vector<1024x32xf32>, vector<64x32xf32> -> vector<64x32xf32>
    %reduce_sum3A = arith.constant dense<0.000000e+00> : vector<64xf32>
    %reduce_sum3A_57 = vector.multi_reduction <add>, %select_n3A, %reduce_sum3A [0] : vector<1024x64xf32> to vector<64xf32>
    %broadcast_in_dim3A_58 = vector.shape_cast %reduce_sum3A_57 : vector<64xf32> to vector<1x64xf32>
    %get3A_59 = arith.constant 0 : index
    %get3A_60 = arith.constant 0 : index
    %get3A_61 = vector.load %arg4[%get3A_59, %get3A_60] : memref<1024x1xf32, #tpu.memory_space<vmem>>, vector<1024x1xf32>
    %jit3A_62 = arith.constant 0.000000e+00 : f32
    %broadcast_in_dim3A_63 = vector.broadcast %jit3A_62 : f32 to vector<1024x1xf32>
    %select_n3A_64 = arith.select %lt3A_36, %get3A_61, %broadcast_in_dim3A_63 : vector<1024x1xi1>, vector<1024x1xf32>
    %reduce_sum3A_65 = arith.constant dense<0.000000e+00> : vector<1xf32>
    %reduce_sum3A_66 = vector.multi_reduction <add>, %select_n3A_64, %reduce_sum3A_65 [0] : vector<1024x1xf32> to vector<1xf32>
    %broadcast_in_dim3A_67 = vector.shape_cast %reduce_sum3A_66 : vector<1xf32> to vector<1x1xf32>
    %eq3A = arith.constant 0 : i32
    %eq3A_68 = arith.cmpi eq, %arg0, %eq3A : i32
    %convert_element_type3A = arith.extui %eq3A_68 : i1 to i32
    %cond3A = arith.constant 0 : i32
    %cond3A_69 = arith.cmpi ne, %convert_element_type3A, %cond3A : i32
    scf.if %cond3A_69 {
      %swap3A = arith.constant 0 : index
      %swap3A_79 = arith.constant 0 : index
      %swap3A_80 = vector.load %arg12[%swap3A, %swap3A_79] : memref<64x32xf32, #tpu.memory_space<vmem>>, vector<64x32xf32>
      tpu.vector_store %arg12[%swap3A, %swap3A_79], %dot_general3A_56 {strides = array<i32>} : memref<64x32xf32, #tpu.memory_space<vmem>>, vector<64x32xf32>,
      %swap3A_81 = arith.constant 0 : index
      %swap3A_82 = arith.constant 0 : index
      %swap3A_83 = vector.load %arg13[%swap3A_81, %swap3A_82] : memref<1x64xf32, #tpu.memory_space<vmem>>, vector<1x64xf32>
      tpu.vector_store %arg13[%swap3A_81, %swap3A_82], %broadcast_in_dim3A_58 {strides = array<i32>} : memref<1x64xf32, #tpu.memory_space<vmem>>, vector<1x64xf32>,
      %swap3A_84 = arith.constant 0 : index
      %swap3A_85 = arith.constant 0 : index
      %swap3A_86 = vector.load %arg14[%swap3A_84, %swap3A_85] : memref<1x1xf32, #tpu.memory_space<vmem>>, vector<1x1xf32>
      tpu.vector_store %arg14[%swap3A_84, %swap3A_85], %broadcast_in_dim3A_67 {strides = array<i32>} : memref<1x1xf32, #tpu.memory_space<vmem>>, vector<1x1xf32>,
    } else {
    }
    %gt3A = arith.constant 0 : i32
    %gt3A_70 = arith.cmpi sgt, %arg0, %gt3A : i32
    %convert_element_type3A_71 = arith.extui %gt3A_70 : i1 to i32
    %cond3A_72 = arith.constant 0 : i32
    %cond3A_73 = arith.cmpi ne, %convert_element_type3A_71, %cond3A_72 : i32
    scf.if %cond3A_73 {
      %get3A_79 = arith.constant 0 : index
      %get3A_80 = arith.constant 0 : index
      %get3A_81 = vector.load %arg12[%get3A_79, %get3A_80] : memref<64x32xf32, #tpu.memory_space<vmem>>, vector<64x32xf32>
      %add3A_82 = arith.addf %get3A_81, %dot_general3A_56 : vector<64x32xf32>
      %swap3A = arith.constant 0 : index
      %swap3A_83 = arith.constant 0 : index
      %swap3A_84 = vector.load %arg12[%swap3A, %swap3A_83] : memref<64x32xf32, #tpu.memory_space<vmem>>, vector<64x32xf32>
      tpu.vector_store %arg12[%swap3A, %swap3A_83], %add3A_82 {strides = array<i32>} : memref<64x32xf32, #tpu.memory_space<vmem>>, vector<64x32xf32>,
      %get3A_85 = arith.constant 0 : index
      %get3A_86 = arith.constant 0 : index
      %get3A_87 = vector.load %arg13[%get3A_85, %get3A_86] : memref<1x64xf32, #tpu.memory_space<vmem>>, vector<1x64xf32>
      %add3A_88 = arith.addf %get3A_87, %broadcast_in_dim3A_58 : vector<1x64xf32>
      %swap3A_89 = arith.constant 0 : index
      %swap3A_90 = arith.constant 0 : index
      %swap3A_91 = vector.load %arg13[%swap3A_89, %swap3A_90] : memref<1x64xf32, #tpu.memory_space<vmem>>, vector<1x64xf32>
      tpu.vector_store %arg13[%swap3A_89, %swap3A_90], %add3A_88 {strides = array<i32>} : memref<1x64xf32, #tpu.memory_space<vmem>>, vector<1x64xf32>,
      %get3A_92 = arith.constant 0 : index
      %get3A_93 = arith.constant 0 : index
      %get3A_94 = vector.load %arg14[%get3A_92, %get3A_93] : memref<1x1xf32, #tpu.memory_space<vmem>>, vector<1x1xf32>
      %add3A_95 = arith.addf %get3A_94, %broadcast_in_dim3A_67 : vector<1x1xf32>
      %swap3A_96 = arith.constant 0 : index
      %swap3A_97 = arith.constant 0 : index
      %swap3A_98 = vector.load %arg14[%swap3A_96, %swap3A_97] : memref<1x1xf32, #tpu.memory_space<vmem>>, vector<1x1xf32>
      tpu.vector_store %arg14[%swap3A_96, %swap3A_97], %add3A_95 {strides = array<i32>} : memref<1x1xf32, #tpu.memory_space<vmem>>, vector<1x1xf32>,
    } else {
    }
    %eq3A_74 = arith.constant 9 : i32
    %eq3A_75 = arith.cmpi eq, %arg0, %eq3A_74 : i32
    %convert_element_type3A_76 = arith.extui %eq3A_75 : i1 to i32
    %cond3A_77 = arith.constant 0 : i32
    %cond3A_78 = arith.cmpi ne, %convert_element_type3A_76, %cond3A_77 : i32
    scf.if %cond3A_78 {
      %get3A_79 = arith.constant 0 : index
      %get3A_80 = arith.constant 0 : index
      %get3A_81 = vector.load %arg8[%get3A_79, %get3A_80] : memref<64x32xf32, #tpu.memory_space<vmem>>, vector<64x32xf32>
      %get3A_82 = arith.constant 0 : index
      %get3A_83 = arith.constant 0 : index
      %get3A_84 = vector.load %arg12[%get3A_82, %get3A_83] : memref<64x32xf32, #tpu.memory_space<vmem>>, vector<64x32xf32>
      %mul3A_85 = arith.mulf %get3A_81, %get3A_84 : vector<64x32xf32>
      %reduce_sum3A_86 = arith.constant dense<0.000000e+00> : vector<32xf32>
      %reduce_sum3A_87 = vector.multi_reduction <add>, %mul3A_85, %reduce_sum3A_86 [0] : vector<64x32xf32> to vector<32xf32>
      %broadcast_in_dim3A_88 = vector.shape_cast %reduce_sum3A_87 : vector<32xf32> to vector<1x32xf32>
      %get3A_89 = arith.constant 0 : index
      %get3A_90 = arith.constant 0 : index
      %get3A_91 = vector.load %arg9[%get3A_89, %get3A_90] : memref<32x1xf32, #tpu.memory_space<vmem>>, vector<32x1xf32>
      %dot_general3A_92 = arith.constant dense<0.000000e+00> : vector<1x1xf32>
      %dot_general3A_93 = tpu.matmul %broadcast_in_dim3A_88, %get3A_91, %dot_general3A_92 {dimension_numbers = #tpu.dot_dimension_numbers<[1], [0], [0], [1], [0, 0, 1, 1], [], []>, transpose_lhs_hint = false} : vector<1x32xf32>, vector<32x1xf32>, vector<1x1xf32> -> vector<1x1xf32>
      %get3A_94 = arith.constant 0 : index
      %get3A_95 = arith.constant 0 : index
      %get3A_96 = vector.load %arg13[%get3A_94, %get3A_95] : memref<1x64xf32, #tpu.memory_space<vmem>>, vector<1x64xf32>
      %get3A_97 = arith.constant 0 : index
      %get3A_98 = arith.constant 0 : index
      %get3A_99 = vector.load %arg10[%get3A_97, %get3A_98] : memref<64x1xf32, #tpu.memory_space<vmem>>, vector<64x1xf32>
      %dot_general3A_100 = arith.constant dense<0.000000e+00> : vector<1x1xf32>
      %dot_general3A_101 = tpu.matmul %get3A_96, %get3A_99, %dot_general3A_100 {dimension_numbers = #tpu.dot_dimension_numbers<[1], [0], [0], [1], [0, 0, 1, 1], [], []>, transpose_lhs_hint = false} : vector<1x64xf32>, vector<64x1xf32>, vector<1x1xf32> -> vector<1x1xf32>
      %add3A_102 = arith.addf %dot_general3A_93, %dot_general3A_101 : vector<1x1xf32>
      %get3A_103 = arith.constant 0 : index
      %get3A_104 = arith.constant 0 : index
      %get3A_105 = vector.load %arg14[%get3A_103, %get3A_104] : memref<1x1xf32, #tpu.memory_space<vmem>>, vector<1x1xf32>
      %get3A_106 = arith.constant 0 : index
      %get3A_107 = arith.constant 0 : index
      %get3A_108 = vector.load %arg11[%get3A_106, %get3A_107] : memref<1x1xf32, #tpu.memory_space<vmem>>, vector<1x1xf32>
      %mul3A_109 = arith.mulf %get3A_105, %get3A_108 : vector<1x1xf32>
      %add3A_110 = arith.addf %add3A_102, %mul3A_109 : vector<1x1xf32>
      %mul3A_111 = arith.constant 0.00999999977 : f32
      %mul3A_112 = vector.broadcast %mul3A_111 : f32 to vector<1x1xf32>
      %mul3A_113 = arith.mulf %add3A_110, %mul3A_112 : vector<1x1xf32>
      %swap3A = arith.constant 0 : index
      %swap3A_114 = arith.constant 0 : index
      %swap3A_115 = vector.load %arg15[%swap3A, %swap3A_114] : memref<1x1xf32, #tpu.memory_space<vmem>>, vector<1x1xf32>
      tpu.vector_store %arg15[%swap3A, %swap3A_114], %mul3A_113 {strides = array<i32>} : memref<1x1xf32, #tpu.memory_space<vmem>>, vector<1x1xf32>,
    } else {
    }
    return
  }
  func.func @transform_0(%arg0: i32) -> (i32, i32, i32) {
    %c0_i32 = arith.constant 0 : i32
    %c0_i32_0 = arith.constant 0 : i32
    %c0_i32_1 = arith.constant 0 : i32
    return %c0_i32, %arg0, %c0_i32_0 : i32, i32, i32
  }
  func.func @transform_1(%arg0: i32) -> (i32, i32, i32) {
    %c0_i32 = arith.constant 0 : i32
    %c0_i32_0 = arith.constant 0 : i32
    %c0_i32_1 = arith.constant 0 : i32
    return %c0_i32, %arg0, %c0_i32_0 : i32, i32, i32
  }
  func.func @transform_2(%arg0: i32) -> (i32, i32) {
    %c0_i32 = arith.constant 0 : i32
    %c0_i32_0 = arith.constant 0 : i32
    return %arg0, %c0_i32 : i32, i32
  }
  func.func @transform_3(%arg0: i32) -> (i32, i32) {
    %c0_i32 = arith.constant 0 : i32
    %c0_i32_0 = arith.constant 0 : i32
    return %arg0, %c0_i32 : i32, i32
  }
  func.func @transform_4(%arg0: i32) -> (i32, i32) {
    %c0_i32 = arith.constant 0 : i32
    %c0_i32_0 = arith.constant 0 : i32
    %c0_i32_1 = arith.constant 0 : i32
    return %c0_i32, %c0_i32_0 : i32, i32
  }
  func.func @transform_5(%arg0: i32) -> (i32, i32) {
    %c0_i32 = arith.constant 0 : i32
    %c0_i32_0 = arith.constant 0 : i32
    %c0_i32_1 = arith.constant 0 : i32
    return %c0_i32, %c0_i32_0 : i32, i32
  }
  func.func @transform_6(%arg0: i32) -> (i32, i32) {
    %c0_i32 = arith.constant 0 : i32
    %c0_i32_0 = arith.constant 0 : i32
    %c0_i32_1 = arith.constant 0 : i32
    return %c0_i32, %c0_i32_0 : i32, i32
  }
  func.func @transform_7(%arg0: i32) -> (i32, i32) {
    %c0_i32 = arith.constant 0 : i32
    %c0_i32_0 = arith.constant 0 : i32
    %c0_i32_1 = arith.constant 0 : i32
    return %c0_i32, %c0_i32_0 : i32, i32
  }
  func.func @transform_8(%arg0: i32) -> (i32, i32) {
    %c0_i32 = arith.constant 0 : i32
    %c0_i32_0 = arith.constant 0 : i32
    %c0_i32_1 = arith.constant 0 : i32
    return %c0_i32, %c0_i32_0 : i32, i32
  }
  func.func @transform_9(%arg0: i32) -> (i32, i32) {
    %c0_i32 = arith.constant 0 : i32
    %c0_i32_0 = arith.constant 0 : i32
    %c0_i32_1 = arith.constant 0 : i32
    return %c0_i32, %c0_i32_0 : i32, i32
  }
  func.func @transform_10(%arg0: i32) -> (i32, i32) {
    %c0_i32 = arith.constant 0 : i32
    %c0_i32_0 = arith.constant 0 : i32
    %c0_i32_1 = arith.constant 0 : i32
    return %c0_i32, %c0_i32_0 : i32, i32
  }
  func.func @transform_11(%arg0: i32) -> (i32, i32) {
    %c0_i32 = arith.constant 0 : i32
    %c0_i32_0 = arith.constant 0 : i32
    %c0_i32_1 = arith.constant 0 : i32
    return %c0_i32, %c0_i32_0 : i32, i32
  }
  func.func @transform_12(%arg0: i32) -> (i32, i32) {
    %c0_i32 = arith.constant 0 : i32
    %c0_i32_0 = arith.constant 0 : i32
    %c0_i32_1 = arith.constant 0 : i32
    return %c0_i32, %c0_i32_0 : i32, i32
  }
  func.func @transform_13(%arg0: i32) -> (i32, i32) {
    %c0_i32 = arith.constant 0 : i32
    %c0_i32_0 = arith.constant 0 : i32
    %c0_i32_1 = arith.constant 0 : i32
    return %c0_i32, %c0_i32_0 : i32, i32
  }
  func.func @transform_14(%arg0: i32) -> (i32, i32) {
    %c0_i32 = arith.constant 0 : i32
    %c0_i32_0 = arith.constant 0 : i32
    %c0_i32_1 = arith.constant 0 : i32
    return %c0_i32, %c0_i32_0 : i32, i32
  }
}

</mosaic_0001>

<sc_bundles>
// kernel: kernel.11.cloned.1.call-start
scs
__scs_entry_jumppad:
0x0: {  	(pc) =	sbr.rel $0x88, $3  }
0x1: {  	(tag) =	ssettag $0x0;
	lr =	simm.s32 $0x1  }
0x2: {  	[smem:$0x3F8C] =	sst lr;
	_ =	strace $0xD0000000  }
0x3: {  	_ = 	snop  }
0x4: {  	_ = 	snop  }
0x5: {  	_ = 	snop  }
0x6: {  	_ = 	snop  }
0x7: {  	_ = 	snop  }
__scs_overlays_trampoline_lowered:
0x8: {  	[smem:$0x3F9B] =	sst s0  }
0x9: {  	[smem:$0x3F9C] =	sst s1  }
0xa: {  	[smem:$0x3F9D] =	sst s2  }
0xb: {  	[smem:$0x3F9E] =	sst s3  }
0xc: {  	[smem:$0x3F9F] =	sst s4  }
0xd: {  	[smem:$0x3FA0] =	sst s5  }
0xe: {  	[smem:$0x3FA1] =	sst s6  }
0xf: {  	[smem:$0x3FA2] =	sst s7  }
0x10: {  	[smem:$0x3FA3] =	sst s8  }
0x11: {  	[smem:$0x3FA4] =	sst s9;
	s0 =	simm.s32 @!p0 $0x0  }
0x12: {  	s1 =	sld [smem:$0x3F8A];
	s0 =	simm.s32 @p0 $0x1  }
0x13: {  	[smem:$0x3FA5] =	sst s0;
	s0 =	simm.s32 @!p1 $0x0  }
0x14: {  	s2 =	sld [smem:$0x3F89];
	s0 =	simm.s32 @p1 $0x1  }
0x15: {  	[smem:$0x3FA6] =	sst s0;
	s0 =	simm.s32 @!p2 $0x0  }
0x16: {  	s3 =	sld [smem:$0x3FDB];
	s0 =	simm.s32 @p2 $0x1  }
0x17: {  	s4 =	simm.s32 $0x1BF5;
	[smem:$0x3FA8] =	sst s0  }
0x18: {  	s0 =	sld [smem:$0x3F8B];
	_ =	swait.ge [sflag:s4], $0x0  }
0x19: {  	s7 =	sld [smem:$0x3F8C]  }
0x1a: {  	s8 =	sadd.s32 $0xFFFFE003, lr  }
0x1b: {  	s9 =	sadd.s32 $0xFFFFFEF7, lr;
	s5 =	simm.s32 $0xFFFFFFFF;
	p2 =	slt.u32 s8, $0xFFFFF086  }
0x1c: {  	p1 =	slt.u32 s9, $0xF7A;
	s5 =	simm.s32 @!p2 $0x0  }
0x1d: {  	s5 =	simm.s32 @p1 $0x1;
	p0 =	seq.s32 s7, s2  }
0x1e: {  	s7 =	smul.u32 @!p0 $0xF7A, s2;
	p2 =	seq.s32 @!p0 s5, $0x0  }
0x1f: {  	s9 =	smul.u32 $0xF7A, s1;
	s8 =	simm.s32 @!p0 $0x1BF5;
	p2 =	por !p2, p0  }
0x20: {  	[sflag:s8] =	ssyncset.s32 @!p0 $0xFFFFF086;
	s6 =	sadd.s32 @!p0 s3, s7;
	s7 =	simm.s32 @!p0 $0x108  }
0x21: {  	s3 =	sadd.s32 s3, s9;
	s6 =	sadd.s32 @!p0 $0x88, s6;
	s7 =	simm.s32 @p2 $0x1082  }
0x22: {  	[simem:s7], [sflag:s8] =	dma.local @!p0 [hbm:s6], $0xF7A  }
0x23: {  	s9 =	sor.u32 $0xD0000000, s2;
	s6 =	simm.s32 $0x108;
	_ =	swait.ge @!p0 [sflag:s8], $0x0  }
0x24: {  	s3 =	sadd.s32 $0x88, s3;
	s6 =	simm.s32 @!p1 $0x1082;
	[sflag:s4] =	ssyncset.s32 $0xFFFFF086  }
0x25: {  	[simem:s6], [sflag:s4] =	dma.local [hbm:s3], $0xF7A  }
0x26: {  	[smem:$0x3F8C] =	sst s1;
	(tag) =	ssettag s2;
	_ =	strace s9  }
0x27: {  	s1 =	sld [smem:$0x3F9C]  }
0x28: {  	s2 =	sld [smem:$0x3F9D]  }
0x29: {  	s4 =	sld [smem:$0x3F9F]  }
0x2a: {  	p0 =	seq.s32 s5, $0x0;
	s5 =	sld [smem:$0x3FA0]  }
0x2b: {  	s6 =	sld [smem:$0x3FA1]  }
0x2c: {  	s7 =	sld [smem:$0x3FA2]  }
0x2d: {  	s3 =	simm.s32 $0x108;
	s8 =	sld [smem:$0x3FA3]  }
0x2e: {  	s3 =	simm.s32 @!p0 $0x1082;
	s9 =	sld [smem:$0x3FA4]  }
0x2f: {  	lr =	sadd.s32 s0, s3;
	s0 =	sld [smem:$0x3F9B]  }
0x30: {  	s3 =	sld [smem:$0x3F9E]  }
0x31: {  	[smem:$0x3FA7] =	sst s10  }
0x32: {  	s10 =	sld [smem:$0x3FA5];
	_ =	sdelay $0x3  }
0x33: {  	p0 =	seq.s32 s10, $0x1;
	s10 =	sld [smem:$0x3FA7];
	_ =	sdelay $0x3  }
0x34: {  	[smem:$0x3FA7] =	sst s10  }
0x35: {  	s10 =	sld [smem:$0x3FA6];
	_ =	sdelay $0x3  }
0x36: {  	p1 =	seq.s32 s10, $0x1;
	s10 =	sld [smem:$0x3FA7];
	_ =	sdelay $0x3  }
0x37: {  	[smem:$0x3FA7] =	sst s10  }
0x38: {  	s10 =	sld [smem:$0x3FA8]  }
0x39: {  	_ = 	snop;
	(pc) =	sbr.ind lr, $3  }
0x3a: {  	_ = 	snop  }
0x3b: {  	_ = 	snop  }
0x3c: {  	p2 =	seq.s32 s10, $0x1;
	s10 =	sld [smem:$0x3FA7]  }
0x3d: {  	_ =	shalt  }
0x3e: {  	_ =	shalt  }
0x3f: {  	_ =	shalt  }
0x40: {  	_ =	shalt  }
0x41: {  	_ =	shalt  }
0x42: {  	_ =	shalt  }
0x43: {  	_ =	shalt  }
0x44: {  	_ =	shalt  }
0x45: {  	_ =	shalt  }
0x46: {  	_ =	shalt  }
0x47: {  	_ =	shalt  }
0x48: {  	_ =	shalt  }
0x49: {  	_ =	shalt  }
0x4a: {  	_ =	shalt  }
0x4b: {  	_ =	shalt  }
0x4c: {  	_ =	shalt  }
0x4d: {  	_ =	shalt  }
0x4e: {  	_ =	shalt  }
0x4f: {  	_ =	shalt  }
0x50: {  	_ =	shalt  }
0x51: {  	_ =	shalt  }
0x52: {  	_ =	shalt  }
0x53: {  	_ =	shalt  }
0x54: {  	_ =	shalt  }
0x55: {  	_ =	shalt  }
0x56: {  	_ =	shalt  }
0x57: {  	_ =	shalt  }
0x58: {  	_ =	shalt  }
0x59: {  	_ =	shalt  }
0x5a: {  	_ =	shalt  }
0x5b: {  	_ =	shalt  }
0x5c: {  	_ =	shalt  }
0x5d: {  	_ =	shalt  }
0x5e: {  	_ =	shalt  }
0x5f: {  	_ =	shalt  }
0x60: {  	_ =	shalt  }
0x61: {  	_ =	shalt  }
0x62: {  	_ =	shalt  }
0x63: {  	_ =	shalt  }
0x64: {  	_ =	shalt  }
0x65: {  	_ =	shalt  }
0x66: {  	_ =	shalt  }
0x67: {  	_ =	shalt  }
0x68: {  	_ =	shalt  }
0x69: {  	_ =	shalt  }
0x6a: {  	_ =	shalt  }
0x6b: {  	_ =	shalt  }
0x6c: {  	_ =	shalt  }
0x6d: {  	_ =	shalt  }
0x6e: {  	_ =	shalt  }
0x6f: {  	_ =	shalt  }
0x70: {  	_ =	shalt  }
0x71: {  	_ =	shalt  }
0x72: {  	_ =	shalt  }
0x73: {  	_ =	shalt  }
0x74: {  	_ =	shalt  }
0x75: {  	_ =	shalt  }
0x76: {  	_ =	shalt  }
0x77: {  	_ =	shalt  }
0x78: {  	_ =	shalt  }
0x79: {  	_ =	shalt  }
0x7a: {  	_ =	shalt  }
0x7b: {  	_ =	shalt  }
0x7c: {  	_ =	shalt  }
0x7d: {  	_ =	shalt  }
0x7e: {  	_ =	shalt  }
0x7f: {  	_ =	shalt  }
0x80: {  	_ =	shalt  }
0x81: {  	_ =	shalt  }
0x82: {  	_ =	shalt  }
0x83: {  	_ =	shalt  }
0x84: {  	_ =	shalt  }
0x85: {  	_ =	shalt  }
0x86: {  	_ =	shalt  }
0x87: {  	_ =	shalt  }
.Lfunc_end0:
.L_simem_size_0:
called_computation.1_lowered:
.L_overlay_start_0:
0x88: {  	s2 =	sld [smem:$0x3FD9]  }
0x89: {  	s3 =	sld [smem:$0x3FFE];
	_ =	sdelay $0x1  }
0x8a: {  	s1 =	srdreg.scid  }
0x8b: {  	s0 =	sand.u32 $0x1, s1  }
0x8c: {  	s16 =	sshll.u32 s0, $0xA;
	s2 =	sadd.s32 s3, s2  }
0x8d: {  	s2 =	sadd.s32 s2, s16  }
0x8e: {  	[smem:$0x3FB3] =	sst s2  }
0x8f: {  	_ = 	snop  }
0x90: {  	(tm) =	ssettm $0x1  }
0x91: {  	s17 =	sld [smem:$0x3FFB];
	_ =	sdelay $0x3  }
0x92: {  	_ =	strace s17  }
0x93: {  	s2 =	sld [smem:$0x3FFC];
	_ =	sdelay $0x3  }
0x94: {  	_ =	strace s2  }
0x95: {  	s2 =	sld [smem:$0x3FFD];
	_ =	sdelay $0x3  }
0x96: {  	_ =	strace s2  }
0x97: {  	_ =	strace $0x8FFFFFFF  }
0x98: {  	s18 =	sld [smem:$0x3FDB];
	_ =	sdelay $0x1  }
0x99: {  	s19 =	simm.s32 $_scs_section_size  }
0x9a: {  	s4 =	simm.s32 $_size__tile_overlayer_lowered;
	s5 =	simm.s32 $_tile_overlayer_lowered  }
0x9b: {  	s22 =	simm.s32 $0x1BFF;
	s21 =	sshll.u32 s5, $0x1;
	s2 =	sadd.s32 s19, s18  }
0x9c: {  	s6 =	simm.s32 $0x0;
	s20 =	sshll.u32 s4, $0x1;
	s4 =	sadd.s32 s21, s2  }
0x9d: {  	[timem:s6], [sflag:s22] =	dma.local [hbm:s4], s20  }
0x9e: {  	_ =	swait.ge [sflag:s22], s20  }
0x9f: {  	s3 =	ssub.s32 $0x0, s20;
	[sflag:s22] =	ssyncset.done $0x0  }
0xa0: {  	[sflag:s22] =	ssyncadd.s32 s3;
	_ =	sdelay $0x1  }
0xa1: {  	s23 =	simm.s32 $0x1B8B  }
0xa2: {  	_ =	swait.ge [sflag:s23], $0x1  }
0xa3: {  	[sflag:s23] =	ssyncset.done $0x0  }
0xa4: {  	s25 =	simm.s32 $0x1B8E;
	s24 =	sld [smem:$0x3FFE];
	[sflag:s23] =	ssyncadd.s32 $0xFFFFFFFF  }
0xa5: {  	s26 =	simm.s32 $execute0_lowered;
	[smem:$0x3FD2] =	sst s25  }
0xa6: {  	s4 =	sshll.u32 s26, $0x1;
	_ =	strace $0x80000049;
	[dreg:$0x1] =	wrdreg $0xFFFFFFFF  }
0xa7: {  	s28 =	simm.s32 $_size_execute0_lowered;
	s2 =	sadd.s32 s2, s4;
	[dreg:$0x0] =	wrdreg $0x0  }
0xa8: {  	s4 =	sshll.u32 s28, $0x1;
	[dreg:$0x2] =	wrdreg s2  }
0xa9: {  	[dreg:$0x3] =	wrdreg s4  }
0xaa: {  	[dreg:$0x4] =	wrdreg $0xC0  }
0xab: {  	_ =	task [dreg:s6], $0x5FFFF  }
0xac: {  	[dreg:$0x1] =	wrdreg $0xFFFFFFFF  }
0xad: {  	[dreg:$0x0] =	wrdreg $0x60  }
0xae: {  	[dreg:$0x2] =	wrdreg s24  }
0xaf: {  	[dreg:$0x3] =	wrdreg $0x0  }
0xb0: {  	[dreg:$0x4] =	wrdreg $0x4F000  }
0xb1: {  	[dreg:$0x5] =	wrdreg $0x9  }
0xb2: {  	_ =	task.clear_ibuf [dreg:s6], $0x6FFFF;
	_ =	strace $0x90000049  }
0xb3: {  	s29 =	simm.s32 $0x9;
	_ =	strace $0x8000004B  }
0xb4: {  	_ =	swait.ge [sflag:s29], $0x1  }
0xb5: {  	[sflag:s29] =	ssyncadd.s32 $0xFFFFFFFF  }
0xb6: {  	_ =	strace $0x9000004B  }
0xb7: {  	_ =	sfence  }
0xb8: {  	s30 =	sld [smem:$0x0];
	_ =	sdelay $0x2  }
0xb9: {  	s31 =	sshll.u32 s1, $0xD;
	s1 =	sshrl.u32 s1, $0x2  }
0xba: {  	s3 =	sand.u32 $0x4000, s31;
	s1 =	sadd.s32 s1, s30  }
0xbb: {  	s0 =	sor.u32 s3, s0;
	s1 =	sshll.u32 s1, $0x11  }
0xbc: {  	s0 =	sor.u32 s1, s0  }
0xbd: {  	s0 =	sadd.s32 $0x8F2B, s0  }
0xbe: {  	[sflag:s0] =	ssyncadd.remote.s32 $0x1  }
0xbf: {  	_ =	sfence.sel $0xFFFF  }
0xc0: {  	[dreg:$0x0] =	wrdreg $0xFFFFFFFF;
	(pc) =	sbr.abs _section_cstart, $3  }
0xc1: {  	[dreg:$0x1] =	wrdreg $0xFFFFFFFF  }
0xc2: {  	_ =	task.clear_ibuf [dreg:s6], $0x2FFFF;
	_ =	strace $0x9FFFFFFF  }
0xc3: {  	(tm) =	ssettm $0x7FFFFFFF  }
tec
execute0_lowered:
.L_overlay_start_1:
0x0: {  	(tag) =	ssettag $0x1  }
0x1: {  	s0 =	rddreg [dreg:$0x0]  }
0x2: {  	s2 =	rddreg [dreg:$0x1]  }
0x3: {  	s1 =	srdreg.scid;
	s3 =	rddreg [dreg:$0x2]  }
0x4: {  	s15 =	stileid.u32;
	s7 =	simm.s32 $0x0;
	s17 =	simm.s32 $0x12E00  }
0x5: {  	s18 =	simm.s32 $0x3;
	s19 =	simm.s32 $0x20;
	s20 =	simm.s32 $0x80  }
0x6: {  	s21 =	simm.s32 $0xEE00;
	s22 =	simm.s32 $0xFE00;
	s23 =	simm.s32 $0x10E00  }
0x7: {  	s24 =	simm.s32 $0x11E00;
	s25 =	simm.s32 $0x1;
	s6 =	smul.u32 $0x4F00, s15  }
0x8: {  	s26 =	simm.s32 $0x2;
	s1 =	sand.u32 $0x1, s1;
	s16 =	smul.u32 $0x28000, s15  }
0x9: {  	[smem:$0x7FF] =	sst s7;
	s4 =	sshll.u32 s1, $0x4;
	s5 =	smul.u32 $0x4F000, s1  }
0xa: {  	s29 =	ssub.s32 $0x2, s1;
	s1 =	smul.u32 $0x280000, s1;
	s4 =	sor.u32 s15, s4  }
0xb: {  	s14 =	sadd.s32 $0x17E00, s0;
	_ =	strace $0x8000004A;
	s28 =	smul.u32 $0x500, s4  }
0xc: {  	s30 =	sshrl.u32 s29, $0x1;
	s5 =	sadd.s32 s6, s5;
	s4 =	smul.u32 $0x28000, s4  }
0xd: {  	s13 =	ssub.s32 s29, s30;
	s1 =	sadd.s32 s1, s14;
	s5 =	sshrl.u32 s5, $0x3  }
0xe: {  	s13 =	smax.u32 s13, $0x1;
	s16 =	sadd.s32 s16, s1;
	s8 =	sadd.s32 s28, s0  }
0xf: {  	s12 =	sadd.s32 s5, s0;
	s5 =	sadd.s32 s6, s2;
	s6 =	sadd.s32 s6, s3  }
0x10: {  	s9 =	sadd.s32 s14, s4;
	s0 =	sadd.s32 $0x17E08, s0;
	s31 =	sadd.s32 $0x3E00, s8  }
0x11: {  	s8 =	sadd.s32 $0xDE00, s8;
	s10 =	sadd.s32 $0x517E00, s12;
	s11 =	sadd.s32 s4, s0  }
0x12: {  	s12 =	sadd.s32 $0x52BA00, s12;
	s4 =	sadd.s32 $0x27800, s4;
	[dreg:$0x4] =	wrdreg s31  }
0x13: {  	v0 =	vimm.f32 $0.0e+00;
	s14 =	sadd.s32 s14, s4;
	s15 =	sadd.s32 s4, s0;
	s0 =	simm.s32 $0x0  }
.LBB2_1:
0x14: {  	s1 =	simm.s32 $0x80;
	s4 =	simm.s32 $0x0  }
.LBB2_2:
0x15: {  	p0 =	sne.s32 s1, $0x13B80;
	[tilespmem:s4+$0x12E00] =	vst v0;
	s28 =	smov.u32 s1;
	s1 =	sadd.s32 $0x80, s1  }
.Ltmp0:
0x16: {  	[tilespmem:s4+$0x12E10] =	vst v0;
	(pc) =	sbr.rel @p0 .LBB2_2-.Ltmp0, $2  }
0x17: {  	_ =	sdelay $0x2  }
0x18: {  	s4 =	sshra.s32 s28, $0x2  }
0x19: {  	[tilespmem:s4+$0x12E00] =	vst v0  }
0x1a: {  	[tilespmem:s4+$0x12E10] =	vst v0  }
0x1b: {  	[spmem:s5] =	stream.linear.scatter [tilespmem:s17], [sflag:$0x3], $0x4F00, $0x38;
	[tilespmem:$0x17D00] =	vst v63  }
0x1c: {  	_ =	swait.ge [sflag:s18], $0x4F00  }
0x1d: {  	[sflag:s18] =	ssyncset.done $0x0  }
0x1e: {  	[sflag:s18] =	ssyncadd.s32 $0xFFFFB100  }
0x1f: {  	[spmem:s6] =	stream.linear.scatter [tilespmem:s17], [sflag:$0x3], $0x4F00, $0x38;
	[tilespmem:$0x17D00] =	vst v63  }
0x20: {  	_ =	swait.ge [sflag:s18], $0x4F00  }
0x21: {  	s1 =	simm.s32 $0x0;
	[sflag:s18] =	ssyncset.done $0x0  }
0x22: {  	s31 =	simm.s32 $0x9E00;
	s7 =	rddreg [dreg:$0x4];
	[sflag:s18] =	ssyncadd.s32 $0xFFFFB100  }
0x23: {  	[tilespmem:s31], [sflag:$0x3] =	stream.linear.gather [hbm4b:s7+s1], $0x2800, $0x38;
	[tilespmem:$0x17D00] =	vst v63  }
0x24: {  	_ =	swait.ge [sflag:s18], $0x2800  }
0x25: {  	[sflag:s18] =	ssyncset.done $0x0  }
0x26: {  	s28 =	simm.s32 $0xC600;
	[sflag:s18] =	ssyncadd.s32 $0xFFFFD800  }
0x27: {  	[tilespmem:s28], [sflag:$0x3] =	stream.linear.gather [hbm4b:s8+s1], $0x2800, $0x38;
	[tilespmem:$0x17D00] =	vst v63  }
0x28: {  	_ =	swait.ge [sflag:s18], $0x2800  }
0x29: {  	[sflag:s18] =	ssyncset.done $0x0  }
0x2a: {  	[sflag:s18] =	ssyncadd.s32 $0xFFFFD800  }
0x2b: {  	[tilespmem:s21], [sflag:$0x1] =	stream.strided.gather [hbm4b:s9+s19], $0x1000, s20, s19, $0x38;
	[tilespmem:$0x17D00] =	vst v63  }
0x2c: {  	s7 =	sadd.s32 $0x0, s16  }
0x2d: {  	[tilespmem:s22], [sflag:$0x1] =	stream.strided.gather [hbm4b:s11+s19], $0x1000, s20, s19, $0x38;
	[tilespmem:$0x17D00] =	vst v63  }
0x2e: {  	s29 =	sadd.s32 $0x800, s7;
	[bflag:$0x0] =	sbarrier.arrive $0xFFFF  }
0x2f: {  	[tilespmem:s23], [sflag:$0x2] =	stream.strided.gather [hbm4b:s29+s19], $0x1000, s20, s19, $0x38;
	[tilespmem:$0x17D00] =	vst v63  }
0x30: {  	s29 =	sadd.s32 $0x808, s7  }
0x31: {  	[tilespmem:s24], [sflag:$0x2] =	stream.strided.gather [hbm4b:s29+s19], $0x1000, s20, s19, $0x38;
	[tilespmem:$0x17D00] =	vst v63  }
0x32: {  	_ =	swait.ge [sflag:s25], $0x1000  }
0x33: {  	[sflag:s25] =	ssyncset.done $0x0  }
0x34: {  	[sflag:s25] =	ssyncadd.s32 $0xFFFFF000  }
0x35: {  	_ =	swait.ge [sflag:s25], $0x1000  }
0x36: {  	[sflag:s25] =	ssyncset.done $0x0  }
0x37: {  	[sflag:s25] =	ssyncadd.s32 $0xFFFFF000  }
0x38: {  	[spmem:s2] =	stream.indirect.scatter.add.f32 [tilespmem:s21], [sflag:$0x3], $0x20, s31, s20, $0xb8;
	[tilespmem:$0x17D00] =	vst v63  }
0x39: {  	_ =	swait.ge [sflag:s18], $0x1000  }
0x3a: {  	[sflag:s18] =	ssyncset.done $0x0  }
0x3b: {  	[sflag:s18] =	ssyncadd.s32 $0xFFFFF000  }
0x3c: {  	[spmem:s3] =	stream.indirect.scatter.add.f32 [tilespmem:s22], [sflag:$0x3], $0x20, s28, s20, $0xb8;
	[tilespmem:$0x17D00] =	vst v63  }
0x3d: {  	_ =	swait.ge [sflag:s18], $0x1000  }
0x3e: {  	[sflag:s18] =	ssyncset.done $0x0  }
0x3f: {  	s31 =	sadd.s32 $0x1000, s7;
	[sflag:s18] =	ssyncadd.s32 $0xFFFFF000  }
0x40: {  	[tilespmem:s21], [sflag:$0x1] =	stream.strided.gather [hbm4b:s31+s19], $0x1000, s20, s19, $0x38;
	[tilespmem:$0x17D00] =	vst v63  }
0x41: {  	s1 =	sadd.s32 $0x1008, s7  }
0x42: {  	[tilespmem:s22], [sflag:$0x1] =	stream.strided.gather [hbm4b:s1+s19], $0x1000, s20, s19, $0x38;
	[tilespmem:$0x17D00] =	vst v63  }
0x43: {  	_ =	swait.ge [sflag:s26], $0x1000  }
0x44: {  	[sflag:s26] =	ssyncset.done $0x0  }
0x45: {  	[sflag:s26] =	ssyncadd.s32 $0xFFFFF000  }
0x46: {  	_ =	swait.ge [sflag:s26], $0x1000  }
0x47: {  	[sflag:s26] =	ssyncset.done $0x0  }
0x48: {  	s7 =	simm.s32 $0x9E80;
	[sflag:s26] =	ssyncadd.s32 $0xFFFFF000  }
0x49: {  	[spmem:s2] =	stream.indirect.scatter.add.f32 [tilespmem:s23], [sflag:$0x3], $0x20, s7, s20, $0xb8;
	[tilespmem:$0x17D00] =	vst v63  }
0x4a: {  	_ =	swait.ge [sflag:s18], $0x1000  }
0x4b: {  	[sflag:s18] =	ssyncset.done $0x0  }
0x4c: {  	s31 =	simm.s32 $0xC680;
	[sflag:s18] =	ssyncadd.s32 $0xFFFFF000  }
0x4d: {  	[spmem:s3] =	stream.indirect.scatter.add.f32 [tilespmem:s24], [sflag:$0x3], $0x20, s31, s20, $0xb8;
	[tilespmem:$0x17D00] =	vst v63  }
0x4e: {  	s30 =	simm.s32 $0x2000;
	s29 =	sadd.s32 $0x1000, s16;
	_ =	swait.ge [sflag:s18], $0x1000  }
0x4f: {  	s28 =	simm.s32 $0x9F00;
	s1 =	simm.s32 $0xC700;
	[sflag:s18] =	ssyncset.done $0x0  }
.LBB2_4:
0x50: {  	s7 =	sadd.s32 $0x800, s29  }
0x51: {  	[sflag:s18] =	ssyncadd.s32 $0xFFFFF000;
	s31 =	smov.u32 s30;
	s4 =	sadd.s32 $0x1000, s30  }
0x52: {  	[tilespmem:s23], [sflag:$0x2] =	stream.strided.gather [hbm4b:s7+s19], $0x1000, s20, s19, $0x38;
	[tilespmem:$0x17D00] =	vst v63  }
0x53: {  	p0 =	sne.s32 s30, $0x26000;
	s7 =	sadd.s32 $0x808, s29  }
0x54: {  	[tilespmem:s24], [sflag:$0x2] =	stream.strided.gather [hbm4b:s7+s19], $0x1000, s20, s19, $0x38;
	[tilespmem:$0x17D00] =	vst v63  }
0x55: {  	_ =	swait.ge [sflag:s25], $0x1000  }
0x56: {  	[sflag:s25] =	ssyncset.done $0x0  }
0x57: {  	[sflag:s25] =	ssyncadd.s32 $0xFFFFF000  }
0x58: {  	_ =	swait.ge [sflag:s25], $0x1000  }
0x59: {  	[sflag:s25] =	ssyncset.done $0x0  }
0x5a: {  	[sflag:s25] =	ssyncadd.s32 $0xFFFFF000  }
0x5b: {  	[spmem:s2] =	stream.indirect.scatter.add.f32 [tilespmem:s21], [sflag:$0x3], $0x20, s28, s20, $0xb8;
	[tilespmem:$0x17D00] =	vst v63  }
0x5c: {  	_ =	swait.ge [sflag:s18], $0x1000  }
0x5d: {  	[sflag:s18] =	ssyncset.done $0x0  }
0x5e: {  	[sflag:s18] =	ssyncadd.s32 $0xFFFFF000  }
0x5f: {  	[spmem:s3] =	stream.indirect.scatter.add.f32 [tilespmem:s22], [sflag:$0x3], $0x20, s1, s20, $0xb8;
	[tilespmem:$0x17D00] =	vst v63  }
0x60: {  	_ =	swait.ge [sflag:s18], $0x1000  }
0x61: {  	[sflag:s18] =	ssyncset.done $0x0  }
0x62: {  	s7 =	sadd.s32 $0x1000, s29;
	[sflag:s18] =	ssyncadd.s32 $0xFFFFF000  }
0x63: {  	[tilespmem:s21], [sflag:$0x1] =	stream.strided.gather [hbm4b:s7+s19], $0x1000, s20, s19, $0x38;
	[tilespmem:$0x17D00] =	vst v63  }
0x64: {  	s7 =	sadd.s32 $0x1008, s29  }
0x65: {  	[tilespmem:s22], [sflag:$0x1] =	stream.strided.gather [hbm4b:s7+s19], $0x1000, s20, s19, $0x38;
	[tilespmem:$0x17D00] =	vst v63  }
0x66: {  	_ =	swait.ge [sflag:s26], $0x1000  }
0x67: {  	[sflag:s26] =	ssyncset.done $0x0  }
0x68: {  	[sflag:s26] =	ssyncadd.s32 $0xFFFFF000  }
0x69: {  	_ =	swait.ge [sflag:s26], $0x1000  }
0x6a: {  	[sflag:s26] =	ssyncset.done $0x0  }
0x6b: {  	s7 =	sadd.s32 $0x80, s28;
	[sflag:s26] =	ssyncadd.s32 $0xFFFFF000  }
0x6c: {  	[spmem:s2] =	stream.indirect.scatter.add.f32 [tilespmem:s23], [sflag:$0x3], $0x20, s7, s20, $0xb8;
	[tilespmem:$0x17D00] =	vst v63  }
0x6d: {  	_ =	swait.ge [sflag:s18], $0x1000  }
.Ltmp1:
0x6e: {  	[sflag:s18] =	ssyncset.done $0x0;
	(pc) =	sbr.rel @p0 .LBB2_4-.Ltmp1, $4  }
0x6f: {  	s7 =	sadd.s32 $0x80, s1;
	[sflag:s18] =	ssyncadd.s32 $0xFFFFF000  }
0x70: {  	[spmem:s3] =	stream.indirect.scatter.add.f32 [tilespmem:s24], [sflag:$0x3], $0x20, s7, s20, $0xb8;
	[tilespmem:$0x17D00] =	vst v63  }
0x71: {  	s30 =	smov.u32 s4;
	s1 =	sadd.s32 $0x100, s1;
	_ =	swait.ge [sflag:s18], $0x1000  }
0x72: {  	s29 =	sadd.s32 s31, s16;
	s28 =	sadd.s32 $0x100, s28;
	[sflag:s18] =	ssyncset.done $0x0  }
0x73: {  	s4 =	sadd.s32 $0x800, s29;
	[sflag:s18] =	ssyncadd.s32 $0xFFFFF000  }
0x74: {  	[tilespmem:s23], [sflag:$0x2] =	stream.strided.gather [hbm4b:s4+s19], $0x1000, s20, s19, $0x38;
	[tilespmem:$0x17D00] =	vst v63  }
0x75: {  	s31 =	sadd.s32 $0x808, s29  }
0x76: {  	[tilespmem:s24], [sflag:$0x2] =	stream.strided.gather [hbm4b:s31+s19], $0x1000, s20, s19, $0x38;
	[tilespmem:$0x17D00] =	vst v63  }
0x77: {  	_ =	swait.ge [sflag:s25], $0x1000  }
0x78: {  	[sflag:s25] =	ssyncset.done $0x0  }
0x79: {  	[sflag:s25] =	ssyncadd.s32 $0xFFFFF000  }
0x7a: {  	_ =	swait.ge [sflag:s25], $0x1000  }
0x7b: {  	[sflag:s25] =	ssyncset.done $0x0  }
0x7c: {  	[sflag:s25] =	ssyncadd.s32 $0xFFFFF000  }
0x7d: {  	[spmem:s2] =	stream.indirect.scatter.add.f32 [tilespmem:s21], [sflag:$0x3], $0x20, s28, s20, $0xb8;
	[tilespmem:$0x17D00] =	vst v63  }
0x7e: {  	_ =	swait.ge [sflag:s18], $0x1000  }
0x7f: {  	[sflag:s18] =	ssyncset.done $0x0  }
0x80: {  	[sflag:s18] =	ssyncadd.s32 $0xFFFFF000  }
0x81: {  	[spmem:s3] =	stream.indirect.scatter.add.f32 [tilespmem:s22], [sflag:$0x3], $0x20, s1, s20, $0xb8;
	[tilespmem:$0x17D00] =	vst v63  }
0x82: {  	_ =	swait.ge [sflag:s18], $0x1000  }
0x83: {  	[sflag:s18] =	ssyncset.done $0x0  }
0x84: {  	s7 =	sadd.s32 $0x1000, s29;
	[sflag:s18] =	ssyncadd.s32 $0xFFFFF000  }
0x85: {  	[tilespmem:s21], [sflag:$0x1] =	stream.strided.gather [hbm4b:s7+s19], $0x1000, s20, s19, $0x38;
	[tilespmem:$0x17D00] =	vst v63  }
0x86: {  	s30 =	sadd.s32 $0x1008, s29  }
0x87: {  	[tilespmem:s22], [sflag:$0x1] =	stream.strided.gather [hbm4b:s30+s19], $0x1000, s20, s19, $0x38;
	[tilespmem:$0x17D00] =	vst v63  }
0x88: {  	_ =	swait.ge [sflag:s26], $0x1000  }
0x89: {  	[sflag:s26] =	ssyncset.done $0x0  }
0x8a: {  	[sflag:s26] =	ssyncadd.s32 $0xFFFFF000  }
0x8b: {  	_ =	swait.ge [sflag:s26], $0x1000  }
0x8c: {  	[sflag:s26] =	ssyncset.done $0x0  }
0x8d: {  	s31 =	sadd.s32 $0x80, s28;
	[sflag:s26] =	ssyncadd.s32 $0xFFFFF000  }
0x8e: {  	[spmem:s2] =	stream.indirect.scatter.add.f32 [tilespmem:s23], [sflag:$0x3], $0x20, s31, s20, $0xb8;
	[tilespmem:$0x17D00] =	vst v63  }
0x8f: {  	_ =	swait.ge [sflag:s18], $0x1000  }
0x90: {  	[sflag:s18] =	ssyncset.done $0x0  }
0x91: {  	s4 =	sadd.s32 $0x80, s1;
	[sflag:s18] =	ssyncadd.s32 $0xFFFFF000  }
0x92: {  	[spmem:s3] =	stream.indirect.scatter.add.f32 [tilespmem:s24], [sflag:$0x3], $0x20, s4, s20, $0xb8;
	[tilespmem:$0x17D00] =	vst v63  }
0x93: {  	_ =	swait.ge [sflag:s18], $0x1000  }
0x94: {  	[sflag:s18] =	ssyncset.done $0x0  }
0x95: {  	[sflag:s18] =	ssyncadd.s32 $0xFFFFF000  }
0x96: {  	[tilespmem:s23], [sflag:$0x2] =	stream.strided.gather [hbm4b:s14+s19], $0x1000, s20, s19, $0x38;
	[tilespmem:$0x17D00] =	vst v63  }
0x97: {  	_ = 	snop  }
0x98: {  	[tilespmem:s24], [sflag:$0x2] =	stream.strided.gather [hbm4b:s15+s19], $0x1000, s20, s19, $0x38;
	[tilespmem:$0x17D00] =	vst v63  }
0x99: {  	_ =	swait.ge [sflag:s25], $0x1000  }
0x9a: {  	[sflag:s25] =	ssyncset.done $0x0  }
0x9b: {  	[sflag:s25] =	ssyncadd.s32 $0xFFFFF000  }
0x9c: {  	_ =	swait.ge [sflag:s25], $0x1000  }
0x9d: {  	[sflag:s25] =	ssyncset.done $0x0  }
0x9e: {  	s7 =	simm.s32 $0xC500;
	[sflag:s25] =	ssyncadd.s32 $0xFFFFF000  }
0x9f: {  	[spmem:s2] =	stream.indirect.scatter.add.f32 [tilespmem:s21], [sflag:$0x3], $0x20, s7, s20, $0xb8;
	[tilespmem:$0x17D00] =	vst v63  }
0xa0: {  	_ =	swait.ge [sflag:s18], $0x1000  }
0xa1: {  	[sflag:s18] =	ssyncset.done $0x0  }
0xa2: {  	s28 =	simm.s32 $0xED00;
	[sflag:s18] =	ssyncadd.s32 $0xFFFFF000  }
0xa3: {  	[spmem:s3] =	stream.indirect.scatter.add.f32 [tilespmem:s22], [sflag:$0x3], $0x20, s28, s20, $0xb8;
	[tilespmem:$0x17D00] =	vst v63  }
0xa4: {  	_ =	swait.ge [sflag:s18], $0x1000  }
0xa5: {  	[sflag:s18] =	ssyncset.done $0x0  }
0xa6: {  	[sflag:s18] =	ssyncadd.s32 $0xFFFFF000  }
0xa7: {  	_ =	swait.ge [sflag:s26], $0x1000  }
0xa8: {  	[sflag:s26] =	ssyncset.done $0x0  }
0xa9: {  	[sflag:s26] =	ssyncadd.s32 $0xFFFFF000  }
0xaa: {  	_ =	swait.ge [sflag:s26], $0x1000  }
0xab: {  	[sflag:s26] =	ssyncset.done $0x0  }
0xac: {  	s29 =	simm.s32 $0xC580;
	[sflag:s26] =	ssyncadd.s32 $0xFFFFF000  }
0xad: {  	[spmem:s2] =	stream.indirect.scatter.add.f32 [tilespmem:s23], [sflag:$0x3], $0x20, s29, s20, $0xb8;
	[tilespmem:$0x17D00] =	vst v63  }
0xae: {  	_ =	swait.ge [sflag:s18], $0x1000  }
0xaf: {  	[sflag:s18] =	ssyncset.done $0x0  }
0xb0: {  	s30 =	simm.s32 $0xED80;
	[sflag:s18] =	ssyncadd.s32 $0xFFFFF000  }
0xb1: {  	[spmem:s3] =	stream.indirect.scatter.add.f32 [tilespmem:s24], [sflag:$0x3], $0x20, s30, s20, $0xb8;
	[tilespmem:$0x17D00] =	vst v63  }
0xb2: {  	_ =	swait.ge [sflag:s18], $0x1000  }
0xb3: {  	[sflag:s18] =	ssyncset.done $0x0  }
0xb4: {  	[sflag:s18] =	ssyncadd.s32 $0xFFFFF000  }
0xb5: {  	[bflag:$0x0] =	sbarrier.arrive $0xFFFF  }
0xb6: {  	[tilespmem:s17], [sflag:$0x3] =	stream.linear.gather [spmem:s5], $0x4F00, $0x38;
	[tilespmem:$0x17D00] =	vst v63  }
0xb7: {  	_ =	swait.ge [sflag:s18], $0x4F00  }
0xb8: {  	[sflag:s18] =	ssyncset.done $0x0  }
0xb9: {  	s31 =	simm.s32 $0x0;
	[sflag:s18] =	ssyncadd.s32 $0xFFFFB100  }
0xba: {  	[hbm4b:s10+s31] =	stream.linear.scatter [tilespmem:s17], [sflag:$0x3], $0x4F00, $0x38;
	[tilespmem:$0x17D00] =	vst v63  }
0xbb: {  	_ =	swait.ge [sflag:s18], $0x4F00  }
0xbc: {  	[sflag:s18] =	ssyncset.done $0x0  }
0xbd: {  	[sflag:s18] =	ssyncadd.s32 $0xFFFFB100  }
0xbe: {  	[tilespmem:s17], [sflag:$0x3] =	stream.linear.gather [spmem:s6], $0x4F00, $0x38;
	[tilespmem:$0x17D00] =	vst v63  }
0xbf: {  	s0 =	sadd.s32 $0x1, s0;
	_ =	swait.ge [sflag:s18], $0x4F00  }
0xc0: {  	p0 =	sne.s32 s0, s13;
	[sflag:s18] =	ssyncset.done $0x0  }
.Ltmp2:
0xc1: {  	[sflag:s18] =	ssyncadd.s32 $0xFFFFB100;
	(pc) =	sbr.rel @p0 .LBB2_1-.Ltmp2, $4  }
0xc2: {  	[hbm4b:s12+s31] =	stream.linear.scatter [tilespmem:s17], [sflag:$0x3], $0x4F00, $0x38;
	[tilespmem:$0x17D00] =	vst v63  }
0xc3: {  	_ =	swait.ge [sflag:s18], $0x4F00  }
0xc4: {  	[sflag:s18] =	ssyncset.done $0x0  }
0xc5: {  	[sflag:s18] =	ssyncadd.s32 $0xFFFFB100  }
0xc6: {  	_ =	sfence.sel $0x180000  }
0xc7: {  	[bflag:$0x0] =	sbarrier.arrive $0xFFFF  }
0xc8: {  	_ =	strace $0x9000004A  }
0xc9: {  	s0 =	stileid.u32;
	[bflag:$0x2] =	sbarrier.arrive $0xFFFF  }
0xca: {  	p0 =	sne.s32 s0, $0x0;
	s0 =	rddreg [dreg:$0x3]  }
0xcb: {  	s0 =	sadd.s32 @!p0 $0x100000, s0  }
0xcc: {  	[sflag:s0] =	ssyncadd.tile.s32 @!p0 $0x1;
	_ =	shalt  }
.Lfunc_end2:
_tile_overlayer_lowered:
.L_overlay_start_2:
0xcd: {  	(tag) =	ssettag $0x2  }
0xce: {  	s0 =	rddreg [dreg:$0x0];
	s2 =	stileid.u32  }
0xcf: {  	s1 =	rddreg [dreg:$0x1];
	p0 =	sne.s32 s2, $0x0  }
0xd0: {  	s3 =	rddreg [dreg:$0x2];
	[bflag:$0x3] =	sbarrier.arrive $0xFFFF;
	s2 =	simm.s32 @!p0 $0x1C03  }
0xd1: {  	[timem:s3], [sflag:s2] =	dma.local @!p0 [hbm:s0], s1  }
0xd2: {  	s0 =	simm.s32 @!p0 $0x3  }
0xd3: {  	_ =	swait.ge @!p0 [sflag:s0], s1  }
0xd4: {  	s1 =	ssub.s32 @!p0 $0x0, s1;
	[sflag:s0] =	ssyncset.done @!p0 $0x0  }
0xd5: {  	[sflag:s0] =	ssyncadd.s32 @!p0 s1  }
0xd6: {  	[bflag:$0x3] =	sbarrier.arrive $0xFFFF  }
0xd7: {  	_ =	shalt  }

// kernel: kernel.14.cloned.1.call-start
scs
__scs_entry_jumppad:
0x0: {  	(pc) =	sbr.rel $0x88, $3  }
0x1: {  	(tag) =	ssettag $0x0;
	lr =	simm.s32 $0x1  }
0x2: {  	[smem:$0x3F8C] =	sst lr;
	_ =	strace $0xD0000000  }
0x3: {  	_ = 	snop  }
0x4: {  	_ = 	snop  }
0x5: {  	_ = 	snop  }
0x6: {  	_ = 	snop  }
0x7: {  	_ = 	snop  }
__scs_overlays_trampoline_lowered:
0x8: {  	[smem:$0x3F9B] =	sst s0  }
0x9: {  	[smem:$0x3F9C] =	sst s1  }
0xa: {  	[smem:$0x3F9D] =	sst s2  }
0xb: {  	[smem:$0x3F9E] =	sst s3  }
0xc: {  	[smem:$0x3F9F] =	sst s4  }
0xd: {  	[smem:$0x3FA0] =	sst s5  }
0xe: {  	[smem:$0x3FA1] =	sst s6  }
0xf: {  	[smem:$0x3FA2] =	sst s7  }
0x10: {  	[smem:$0x3FA3] =	sst s8  }
0x11: {  	[smem:$0x3FA4] =	sst s9;
	s0 =	simm.s32 @!p0 $0x0  }
0x12: {  	s1 =	sld [smem:$0x3F8A];
	s0 =	simm.s32 @p0 $0x1  }
0x13: {  	[smem:$0x3FA5] =	sst s0;
	s0 =	simm.s32 @!p1 $0x0  }
0x14: {  	s2 =	sld [smem:$0x3F89];
	s0 =	simm.s32 @p1 $0x1  }
0x15: {  	[smem:$0x3FA6] =	sst s0;
	s0 =	simm.s32 @!p2 $0x0  }
0x16: {  	s3 =	sld [smem:$0x3FDB];
	s0 =	simm.s32 @p2 $0x1  }
0x17: {  	s4 =	simm.s32 $0x1BF5;
	[smem:$0x3FA8] =	sst s0  }
0x18: {  	s0 =	sld [smem:$0x3F8B];
	_ =	swait.ge [sflag:s4], $0x0  }
0x19: {  	s7 =	sld [smem:$0x3F8C]  }
0x1a: {  	s8 =	sadd.s32 $0xFFFFE003, lr  }
0x1b: {  	s9 =	sadd.s32 $0xFFFFFEF7, lr;
	s5 =	simm.s32 $0xFFFFFFFF;
	p2 =	slt.u32 s8, $0xFFFFF086  }
0x1c: {  	p1 =	slt.u32 s9, $0xF7A;
	s5 =	simm.s32 @!p2 $0x0  }
0x1d: {  	s5 =	simm.s32 @p1 $0x1;
	p0 =	seq.s32 s7, s2  }
0x1e: {  	s7 =	smul.u32 @!p0 $0xF7A, s2;
	p2 =	seq.s32 @!p0 s5, $0x0  }
0x1f: {  	s9 =	smul.u32 $0xF7A, s1;
	s8 =	simm.s32 @!p0 $0x1BF5;
	p2 =	por !p2, p0  }
0x20: {  	[sflag:s8] =	ssyncset.s32 @!p0 $0xFFFFF086;
	s6 =	sadd.s32 @!p0 s3, s7;
	s7 =	simm.s32 @!p0 $0x108  }
0x21: {  	s3 =	sadd.s32 s3, s9;
	s6 =	sadd.s32 @!p0 $0x88, s6;
	s7 =	simm.s32 @p2 $0x1082  }
0x22: {  	[simem:s7], [sflag:s8] =	dma.local @!p0 [hbm:s6], $0xF7A  }
0x23: {  	s9 =	sor.u32 $0xD0000000, s2;
	s6 =	simm.s32 $0x108;
	_ =	swait.ge @!p0 [sflag:s8], $0x0  }
0x24: {  	s3 =	sadd.s32 $0x88, s3;
	s6 =	simm.s32 @!p1 $0x1082;
	[sflag:s4] =	ssyncset.s32 $0xFFFFF086  }
0x25: {  	[simem:s6], [sflag:s4] =	dma.local [hbm:s3], $0xF7A  }
0x26: {  	[smem:$0x3F8C] =	sst s1;
	(tag) =	ssettag s2;
	_ =	strace s9  }
0x27: {  	s1 =	sld [smem:$0x3F9C]  }
0x28: {  	s2 =	sld [smem:$0x3F9D]  }
0x29: {  	s4 =	sld [smem:$0x3F9F]  }
0x2a: {  	p0 =	seq.s32 s5, $0x0;
	s5 =	sld [smem:$0x3FA0]  }
0x2b: {  	s6 =	sld [smem:$0x3FA1]  }
0x2c: {  	s7 =	sld [smem:$0x3FA2]  }
0x2d: {  	s3 =	simm.s32 $0x108;
	s8 =	sld [smem:$0x3FA3]  }
0x2e: {  	s3 =	simm.s32 @!p0 $0x1082;
	s9 =	sld [smem:$0x3FA4]  }
0x2f: {  	lr =	sadd.s32 s0, s3;
	s0 =	sld [smem:$0x3F9B]  }
0x30: {  	s3 =	sld [smem:$0x3F9E]  }
0x31: {  	[smem:$0x3FA7] =	sst s10  }
0x32: {  	s10 =	sld [smem:$0x3FA5];
	_ =	sdelay $0x3  }
0x33: {  	p0 =	seq.s32 s10, $0x1;
	s10 =	sld [smem:$0x3FA7];
	_ =	sdelay $0x3  }
0x34: {  	[smem:$0x3FA7] =	sst s10  }
0x35: {  	s10 =	sld [smem:$0x3FA6];
	_ =	sdelay $0x3  }
0x36: {  	p1 =	seq.s32 s10, $0x1;
	s10 =	sld [smem:$0x3FA7];
	_ =	sdelay $0x3  }
0x37: {  	[smem:$0x3FA7] =	sst s10  }
0x38: {  	s10 =	sld [smem:$0x3FA8]  }
0x39: {  	_ = 	snop;
	(pc) =	sbr.ind lr, $3  }
0x3a: {  	_ = 	snop  }
0x3b: {  	_ = 	snop  }
0x3c: {  	p2 =	seq.s32 s10, $0x1;
	s10 =	sld [smem:$0x3FA7]  }
0x3d: {  	_ =	shalt  }
0x3e: {  	_ =	shalt  }
0x3f: {  	_ =	shalt  }
0x40: {  	_ =	shalt  }
0x41: {  	_ =	shalt  }
0x42: {  	_ =	shalt  }
0x43: {  	_ =	shalt  }
0x44: {  	_ =	shalt  }
0x45: {  	_ =	shalt  }
0x46: {  	_ =	shalt  }
0x47: {  	_ =	shalt  }
0x48: {  	_ =	shalt  }
0x49: {  	_ =	shalt  }
0x4a: {  	_ =	shalt  }
0x4b: {  	_ =	shalt  }
0x4c: {  	_ =	shalt  }
0x4d: {  	_ =	shalt  }
0x4e: {  	_ =	shalt  }
0x4f: {  	_ =	shalt  }
0x50: {  	_ =	shalt  }
0x51: {  	_ =	shalt  }
0x52: {  	_ =	shalt  }
0x53: {  	_ =	shalt  }
0x54: {  	_ =	shalt  }
0x55: {  	_ =	shalt  }
0x56: {  	_ =	shalt  }
0x57: {  	_ =	shalt  }
0x58: {  	_ =	shalt  }
0x59: {  	_ =	shalt  }
0x5a: {  	_ =	shalt  }
0x5b: {  	_ =	shalt  }
0x5c: {  	_ =	shalt  }
0x5d: {  	_ =	shalt  }
0x5e: {  	_ =	shalt  }
0x5f: {  	_ =	shalt  }
0x60: {  	_ =	shalt  }
0x61: {  	_ =	shalt  }
0x62: {  	_ =	shalt  }
0x63: {  	_ =	shalt  }
0x64: {  	_ =	shalt  }
0x65: {  	_ =	shalt  }
0x66: {  	_ =	shalt  }
0x67: {  	_ =	shalt  }
0x68: {  	_ =	shalt  }
0x69: {  	_ =	shalt  }
0x6a: {  	_ =	shalt  }
0x6b: {  	_ =	shalt  }
0x6c: {  	_ =	shalt  }
0x6d: {  	_ =	shalt  }
0x6e: {  	_ =	shalt  }
0x6f: {  	_ =	shalt  }
0x70: {  	_ =	shalt  }
0x71: {  	_ =	shalt  }
0x72: {  	_ =	shalt  }
0x73: {  	_ =	shalt  }
0x74: {  	_ =	shalt  }
0x75: {  	_ =	shalt  }
0x76: {  	_ =	shalt  }
0x77: {  	_ =	shalt  }
0x78: {  	_ =	shalt  }
0x79: {  	_ =	shalt  }
0x7a: {  	_ =	shalt  }
0x7b: {  	_ =	shalt  }
0x7c: {  	_ =	shalt  }
0x7d: {  	_ =	shalt  }
0x7e: {  	_ =	shalt  }
0x7f: {  	_ =	shalt  }
0x80: {  	_ =	shalt  }
0x81: {  	_ =	shalt  }
0x82: {  	_ =	shalt  }
0x83: {  	_ =	shalt  }
0x84: {  	_ =	shalt  }
0x85: {  	_ =	shalt  }
0x86: {  	_ =	shalt  }
0x87: {  	_ =	shalt  }
.Lfunc_end0:
.L_simem_size_0:
called_computation.2_lowered:
.L_overlay_start_0:
0x88: {  	s2 =	sld [smem:$0x3FD9]  }
0x89: {  	s3 =	sld [smem:$0x3FFE];
	_ =	sdelay $0x1  }
0x8a: {  	s1 =	srdreg.scid  }
0x8b: {  	s0 =	sand.u32 $0x1, s1  }
0x8c: {  	s16 =	sshll.u32 s0, $0xA;
	s2 =	sadd.s32 s3, s2  }
0x8d: {  	s2 =	sadd.s32 s2, s16  }
0x8e: {  	[smem:$0x3FB3] =	sst s2  }
0x8f: {  	_ = 	snop  }
0x90: {  	(tm) =	ssettm $0x1  }
0x91: {  	s17 =	sld [smem:$0x3FFB];
	_ =	sdelay $0x3  }
0x92: {  	_ =	strace s17  }
0x93: {  	s2 =	sld [smem:$0x3FFC];
	_ =	sdelay $0x3  }
0x94: {  	_ =	strace s2  }
0x95: {  	s2 =	sld [smem:$0x3FFD];
	_ =	sdelay $0x3  }
0x96: {  	_ =	strace s2  }
0x97: {  	_ =	strace $0x8FFFFFFF  }
0x98: {  	s18 =	sld [smem:$0x3FDB];
	_ =	sdelay $0x1  }
0x99: {  	s19 =	simm.s32 $_scs_section_size  }
0x9a: {  	s4 =	simm.s32 $_size__tile_overlayer_lowered;
	s5 =	simm.s32 $_tile_overlayer_lowered  }
0x9b: {  	s22 =	simm.s32 $0x1BFF;
	s21 =	sshll.u32 s5, $0x1;
	s2 =	sadd.s32 s19, s18  }
0x9c: {  	s6 =	simm.s32 $0x0;
	s20 =	sshll.u32 s4, $0x1;
	s4 =	sadd.s32 s21, s2  }
0x9d: {  	[timem:s6], [sflag:s22] =	dma.local [hbm:s4], s20  }
0x9e: {  	_ =	swait.ge [sflag:s22], s20  }
0x9f: {  	s3 =	ssub.s32 $0x0, s20;
	[sflag:s22] =	ssyncset.done $0x0  }
0xa0: {  	[sflag:s22] =	ssyncadd.s32 s3;
	_ =	sdelay $0x1  }
0xa1: {  	s23 =	simm.s32 $0x1B8B  }
0xa2: {  	_ =	swait.ge [sflag:s23], $0x1  }
0xa3: {  	[sflag:s23] =	ssyncset.done $0x0  }
0xa4: {  	s25 =	simm.s32 $0x1B8E;
	s24 =	sld [smem:$0x3FFE];
	[sflag:s23] =	ssyncadd.s32 $0xFFFFFFFF  }
0xa5: {  	s26 =	simm.s32 $execute0_lowered;
	[smem:$0x3FD2] =	sst s25  }
0xa6: {  	s4 =	sshll.u32 s26, $0x1;
	_ =	strace $0x8000004C;
	[dreg:$0x1] =	wrdreg $0xFFFFFFFF  }
0xa7: {  	s28 =	simm.s32 $_size_execute0_lowered;
	s2 =	sadd.s32 s2, s4;
	[dreg:$0x0] =	wrdreg $0x0  }
0xa8: {  	s4 =	sshll.u32 s28, $0x1;
	[dreg:$0x2] =	wrdreg s2  }
0xa9: {  	[dreg:$0x3] =	wrdreg s4  }
0xaa: {  	[dreg:$0x4] =	wrdreg $0xC0  }
0xab: {  	_ =	task [dreg:s6], $0x5FFFF  }
0xac: {  	[dreg:$0x1] =	wrdreg $0xFFFFFFFF  }
0xad: {  	[dreg:$0x0] =	wrdreg $0x60  }
0xae: {  	[dreg:$0x2] =	wrdreg s24  }
0xaf: {  	[dreg:$0x3] =	wrdreg $0x0  }
0xb0: {  	[dreg:$0x4] =	wrdreg $0x9  }
0xb1: {  	_ =	task.clear_ibuf [dreg:s6], $0x5FFFF;
	_ =	strace $0x9000004C  }
0xb2: {  	s29 =	simm.s32 $0x9;
	_ =	strace $0x8000004E  }
0xb3: {  	_ =	swait.ge [sflag:s29], $0x1  }
0xb4: {  	[sflag:s29] =	ssyncadd.s32 $0xFFFFFFFF  }
0xb5: {  	_ =	strace $0x9000004E  }
0xb6: {  	_ =	sfence  }
0xb7: {  	s30 =	sld [smem:$0x0];
	_ =	sdelay $0x2  }
0xb8: {  	s31 =	sshll.u32 s1, $0xD;
	s1 =	sshrl.u32 s1, $0x2  }
0xb9: {  	s3 =	sand.u32 $0x4000, s31;
	s1 =	sadd.s32 s1, s30  }
0xba: {  	s0 =	sor.u32 s3, s0;
	s1 =	sshll.u32 s1, $0x11  }
0xbb: {  	s0 =	sor.u32 s1, s0  }
0xbc: {  	s0 =	sadd.s32 $0x8F2B, s0  }
0xbd: {  	[sflag:s0] =	ssyncadd.remote.s32 $0x1  }
0xbe: {  	_ =	sfence.sel $0xFFFF  }
0xbf: {  	[dreg:$0x0] =	wrdreg $0xFFFFFFFF;
	(pc) =	sbr.abs _section_cstart, $3  }
0xc0: {  	[dreg:$0x1] =	wrdreg $0xFFFFFFFF  }
0xc1: {  	_ =	task.clear_ibuf [dreg:s6], $0x2FFFF;
	_ =	strace $0x9FFFFFFF  }
0xc2: {  	(tm) =	ssettm $0x7FFFFFFF  }
0xc3: {  	_ =	shalt  }
tec
execute0_lowered:
.L_overlay_start_1:
0x0: {  	(tag) =	ssettag $0x1  }
0x1: {  	s7 =	rddreg [dreg:$0x0]  }
0x2: {  	s2 =	rddreg [dreg:$0x1]  }
0x3: {  	s3 =	srdreg.scid;
	s1 =	stileid.u32  }
0x4: {  	s14 =	simm.s32 $0x3;
	s15 =	simm.s32 $0x4F00;
	s16 =	simm.s32 $0x7700  }
0x5: {  	s17 =	simm.s32 $0x80;
	s18 =	simm.s32 $0x9F00;
	s19 =	simm.s32 $0x20  }
0x6: {  	s20 =	simm.s32 $0xAF00;
	s21 =	simm.s32 $0xBF00;
	s22 =	simm.s32 $0xCF00  }
0x7: {  	s23 =	simm.s32 $0x1;
	s24 =	simm.s32 $0x2;
	s25 =	simm.s32 $0x0  }
0x8: {  	s5 =	sand.u32 $0x1, s3;
	s3 =	simm.s32 $0x0;
	s6 =	smul.u32 $0x4F00, s1  }
0x9: {  	s4 =	sshll.u32 s5, $0x4;
	[smem:$0x7FF] =	sst s3;
	s8 =	smul.u32 $0x4F000, s5  }
0xa: {  	s5 =	ssub.s32 $0x2, s5;
	s9 =	sor.u32 s1, s4;
	_ =	strace $0x8000004D  }
0xb: {  	s4 =	sadd.s32 $0x517E00, s7;
	s11 =	sshrl.u32 s5, $0x1;
	s10 =	smul.u32 $0x500, s9  }
0xc: {  	s8 =	sadd.s32 s6, s8;
	s13 =	ssub.s32 s5, s11;
	s31 =	smul.u32 $0x28000, s9  }
0xd: {  	s5 =	sadd.s32 s6, s2;
	s9 =	smul.u32 $0x2800, s9;
	s8 =	sshrl.u32 s8, $0x3  }
0xe: {  	s10 =	sadd.s32 s10, s7;
	s12 =	sadd.s32 s8, s7;
	s7 =	sadd.s32 $0x17E04, s7  }
0xf: {  	s6 =	sadd.s32 $0xDE00, s10;
	s8 =	sadd.s32 $0x3E00, s10;
	s10 =	sadd.s32 s31, s7  }
0x10: {  	v0 =	vimm.f32 $0.0e+00;
	s11 =	sadd.s32 $0x58E600, s12;
	s12 =	smax.u32 s13, $0x1;
	s13 =	simm.s32 $0xDF00  }
.LBB2_1:
0x11: {  	s26 =	simm.s32 $0x80;
	s28 =	simm.s32 $0x0  }
.LBB2_2:
0x12: {  	p0 =	sne.s32 s26, $0x13B80;
	[tilespmem:s28+$0xDF00] =	vst v0;
	s29 =	smov.u32 s26;
	s26 =	sadd.s32 $0x80, s26  }
.Ltmp0:
0x13: {  	[tilespmem:s28+$0xDF10] =	vst v0;
	(pc) =	sbr.rel @p0 .LBB2_2-.Ltmp0, $2  }
0x14: {  	_ =	sdelay $0x2  }
0x15: {  	s28 =	sshra.s32 s29, $0x2  }
0x16: {  	[tilespmem:s28+$0xDF00] =	vst v0  }
0x17: {  	[tilespmem:s28+$0xDF10] =	vst v0  }
0x18: {  	[spmem:s5] =	stream.linear.scatter [tilespmem:s13], [sflag:$0x3], $0x4F00, $0x38;
	[tilespmem:$0x12E00] =	vst v63  }
0x19: {  	_ =	swait.ge [sflag:s14], $0x4F00  }
0x1a: {  	[sflag:s14] =	ssyncset.done $0x0  }
0x1b: {  	s26 =	simm.s32 $0x0;
	[sflag:s14] =	ssyncadd.s32 $0xFFFFB100  }
0x1c: {  	[tilespmem:s15], [sflag:$0x3] =	stream.linear.gather [hbm4b:s6+s26], $0x2800, $0x38;
	[tilespmem:$0x12E00] =	vst v63  }
0x1d: {  	_ =	swait.ge [sflag:s14], $0x2800  }
0x1e: {  	[sflag:s14] =	ssyncset.done $0x0  }
0x1f: {  	[sflag:s14] =	ssyncadd.s32 $0xFFFFD800  }
0x20: {  	[tilespmem:s16], [sflag:$0x3] =	stream.linear.gather [hbm4b:s8+s26], $0x2800, $0x38;
	[tilespmem:$0x12E00] =	vst v63  }
0x21: {  	_ =	swait.ge [sflag:s14], $0x2800  }
0x22: {  	[sflag:s14] =	ssyncset.done $0x0  }
0x23: {  	[sflag:s14] =	ssyncadd.s32 $0xFFFFD800  }
0x24: {  	[bflag:$0x0] =	sbarrier.arrive $0xFFFF  }
0x25: {  	[tilespmem:s18], [sflag:$0x1] =	stream.indirect.gather [hbm4b:s4+s17], $0x20, s15, s17, $0xb8;
	[tilespmem:$0x12E00] =	vst v63  }
0x26: {  	_ = 	snop  }
0x27: {  	[tilespmem:s20], [sflag:$0x1] =	stream.strided.gather [hbm4b:s10+s19], $0x1000, s17, s19, $0x38;
	[tilespmem:$0x12E00] =	vst v63  }
.LBB2_4:
0x28: {  	s29 =	sshll.u32 s26, $0x8  }
0x29: {  	s28 =	sor.u32 $0x80, s29;
	s30 =	sadd.s32 $0x4F80, s29  }
0x2a: {  	[tilespmem:s21], [sflag:$0x2] =	stream.indirect.gather [hbm4b:s4+s17], $0x20, s30, s17, $0xb8;
	[tilespmem:$0x12E00] =	vst v63  }
0x2b: {  	s30 =	sadd.s32 s9, s28  }
0x2c: {  	s30 =	sshll.u32 s30, $0x4  }
0x2d: {  	s30 =	sand.u32 $0x1FFFF800, s30  }
0x2e: {  	s30 =	sadd.s32 s30, s7  }
0x2f: {  	[tilespmem:s22], [sflag:$0x2] =	stream.strided.gather [hbm4b:s30+s19], $0x1000, s17, s19, $0x38;
	[tilespmem:$0x12E00] =	vst v63  }
0x30: {  	_ =	swait.ge [sflag:s23], $0x1000  }
0x31: {  	[sflag:s23] =	ssyncset.done $0x0  }
0x32: {  	[sflag:s23] =	ssyncadd.s32 $0xFFFFF000  }
0x33: {  	_ =	swait.ge [sflag:s23], $0x1000  }
0x34: {  	[sflag:s23] =	ssyncset.done $0x0  }
0x35: {  	s30 =	simm.s32 $0x0;
	[sflag:s23] =	ssyncadd.s32 $0xFFFFF000  }
0x36: {  	v1 =	vld [tilespmem:s30+$0xAF00]  }
0x37: {  	v2 =	vld [tilespmem:s30+$0xAF10]  }
0x38: {  	s31 =	simm.s32 $0x80;
	v3 =	vld [tilespmem:s30+$0x9F00]  }
.LBB2_5:
0x39: {  	p0 =	sne.s32 s31, $0x3F80;
	v4 =	vld [tilespmem:s30+$0x9F10];
	_ =	sdelay $0x2  }
.Ltmp1:
0x3a: {  	(pc) =	sbr.rel @p0 .LBB2_5-.Ltmp1, $4  }
0x3b: {  	s0 =	sshra.s32 s31, $0x2;
	v3 =	vmul.f32 v1, v3  }
0x3c: {  	v1 =	vld [tilespmem:s0+$0xAF00];
	v4 =	vmul.f32 v2, v4  }
0x3d: {  	v2 =	vld [tilespmem:s0+$0xAF10];
	[tilespmem:s30+$0x9F00] =	vst v3  }
0x3e: {  	s31 =	sadd.s32 $0x80, s31;
	v3 =	vld [tilespmem:s0+$0x9F00];
	[tilespmem:s30+$0x9F10] =	vst v4;
	s30 =	smov.u32 s0  }
0x3f: {  	v4 =	vld [tilespmem:s30+$0x9F10];
	_ =	sdelay $0x3  }
0x40: {  	v1 =	vmul.f32 v1, v3  }
0x41: {  	v2 =	vmul.f32 v2, v4  }
0x42: {  	s0 =	sand.u32 $0x3FFFFF00, s29;
	[tilespmem:s30+$0x9F00] =	vst v1  }
0x43: {  	p0 =	seq.s32 s26, $0x27;
	s0 =	sadd.s32 $0x7700, s0;
	[tilespmem:s30+$0x9F10] =	vst v2  }
0x44: {  	[spmem:s2] =	stream.indirect.scatter.add.f32 [tilespmem:s18], [sflag:$0x3], $0x20, s0, s17, $0xb8;
	[tilespmem:$0x12E00] =	vst v63  }
0x45: {  	s0 =	sadd.s32 @!p0 s9, s29  }
0x46: {  	s31 =	simm.s32 @!p0 $0x9F00;
	_ =	swait.ge [sflag:s14], $0x1000;
	s0 =	sshll.u32 @!p0 s0, $0x4  }
0x47: {  	s30 =	simm.s32 @!p0 $0x80;
	[sflag:s14] =	ssyncset.done $0x0;
	s0 =	sadd.s32 @!p0 $0x1000, s0  }
0x48: {  	s29 =	sadd.s32 @!p0 $0x5000, s29;
	[sflag:s14] =	ssyncadd.s32 $0xFFFFF000;
	s0 =	sand.u32 @!p0 $0x1FFFF000, s0  }
0x49: {  	[tilespmem:s31], [sflag:$0x1] =	stream.indirect.gather @!p0 [hbm4b:s4+s30], $0x20, s29, s30, $0xb8;
	[tilespmem:$0x12E00] =	vst v63  }
0x4a: {  	s0 =	sadd.s32 @!p0 s0, s7;
	s29 =	simm.s32 @!p0 $0x20;
	s31 =	simm.s32 @!p0 $0xAF00  }
0x4b: {  	[tilespmem:s31], [sflag:$0x1] =	stream.strided.gather @!p0 [hbm4b:s0+s29], $0x1000, s30, s29, $0x38;
	[tilespmem:$0x12E00] =	vst v63  }
0x4c: {  	_ =	swait.ge [sflag:s24], $0x1000  }
0x4d: {  	[sflag:s24] =	ssyncset.done $0x0  }
0x4e: {  	[sflag:s24] =	ssyncadd.s32 $0xFFFFF000  }
0x4f: {  	_ =	swait.ge [sflag:s24], $0x1000  }
0x50: {  	[sflag:s24] =	ssyncset.done $0x0  }
0x51: {  	s29 =	simm.s32 $0x0;
	[sflag:s24] =	ssyncadd.s32 $0xFFFFF000  }
0x52: {  	v1 =	vld [tilespmem:s29+$0xCF00]  }
0x53: {  	v2 =	vld [tilespmem:s29+$0xCF10]  }
0x54: {  	s30 =	simm.s32 $0x80;
	v3 =	vld [tilespmem:s29+$0xBF00]  }
.LBB2_7:
0x55: {  	p0 =	sne.s32 s30, $0x3F80;
	v4 =	vld [tilespmem:s29+$0xBF10];
	_ =	sdelay $0x2  }
.Ltmp2:
0x56: {  	(pc) =	sbr.rel @p0 .LBB2_7-.Ltmp2, $4  }
0x57: {  	s0 =	sshra.s32 s30, $0x2;
	v3 =	vmul.f32 v1, v3  }
0x58: {  	v1 =	vld [tilespmem:s0+$0xCF00];
	v4 =	vmul.f32 v2, v4  }
0x59: {  	v2 =	vld [tilespmem:s0+$0xCF10];
	[tilespmem:s29+$0xBF00] =	vst v3  }
0x5a: {  	s30 =	sadd.s32 $0x80, s30;
	v3 =	vld [tilespmem:s0+$0xBF00];
	[tilespmem:s29+$0xBF10] =	vst v4;
	s29 =	smov.u32 s0  }
0x5b: {  	v4 =	vld [tilespmem:s29+$0xBF10];
	_ =	sdelay $0x3  }
0x5c: {  	v1 =	vmul.f32 v1, v3  }
0x5d: {  	s26 =	sadd.s32 $0x1, s26;
	v2 =	vmul.f32 v2, v4  }
0x5e: {  	p0 =	sne.s32 s26, $0x28;
	[tilespmem:s29+$0xBF00] =	vst v1  }
.Ltmp3:
0x5f: {  	s0 =	sadd.s32 $0x7700, s28;
	[tilespmem:s29+$0xBF10] =	vst v2;
	(pc) =	sbr.rel @p0 .LBB2_4-.Ltmp3, $4  }
0x60: {  	[spmem:s2] =	stream.indirect.scatter.add.f32 [tilespmem:s21], [sflag:$0x3], $0x20, s0, s17, $0xb8;
	[tilespmem:$0x12E00] =	vst v63  }
0x61: {  	_ =	swait.ge [sflag:s14], $0x1000  }
0x62: {  	[sflag:s14] =	ssyncset.done $0x0  }
0x63: {  	[sflag:s14] =	ssyncadd.s32 $0xFFFFF000  }
0x64: {  	[bflag:$0x0] =	sbarrier.arrive $0xFFFF  }
0x65: {  	[tilespmem:s13], [sflag:$0x3] =	stream.linear.gather [spmem:s5], $0x4F00, $0x38;
	[tilespmem:$0x12E00] =	vst v63  }
0x66: {  	s25 =	sadd.s32 $0x1, s25;
	_ =	swait.ge [sflag:s14], $0x4F00  }
0x67: {  	p0 =	sne.s32 s25, s12;
	[sflag:s14] =	ssyncset.done $0x0  }
.Ltmp4:
0x68: {  	[sflag:s14] =	ssyncadd.s32 $0xFFFFB100;
	(pc) =	sbr.rel @p0 .LBB2_1-.Ltmp4, $4  }
0x69: {  	[hbm4b:s11+s3] =	stream.linear.scatter [tilespmem:s13], [sflag:$0x3], $0x4F00, $0x38;
	[tilespmem:$0x12E00] =	vst v63  }
0x6a: {  	_ =	swait.ge [sflag:s14], $0x4F00  }
0x6b: {  	[sflag:s14] =	ssyncset.done $0x0  }
0x6c: {  	[sflag:s14] =	ssyncadd.s32 $0xFFFFB100  }
0x6d: {  	_ =	sfence.sel $0x180000  }
0x6e: {  	[bflag:$0x0] =	sbarrier.arrive $0xFFFF  }
0x6f: {  	_ =	strace $0x9000004D  }
0x70: {  	[bflag:$0x2] =	sbarrier.arrive $0xFFFF  }
0x71: {  	p0 =	sne.s32 s1, $0x0;
	s0 =	rddreg [dreg:$0x2]  }
0x72: {  	s0 =	sadd.s32 @!p0 $0x100000, s0  }
0x73: {  	[sflag:s0] =	ssyncadd.tile.s32 @!p0 $0x1;
	_ =	shalt  }
.Lfunc_end2:
_tile_overlayer_lowered:
.L_overlay_start_2:
0x74: {  	(tag) =	ssettag $0x2  }
0x75: {  	s0 =	rddreg [dreg:$0x0];
	s2 =	stileid.u32  }
0x76: {  	s1 =	rddreg [dreg:$0x1];
	p0 =	sne.s32 s2, $0x0  }
0x77: {  	s3 =	rddreg [dreg:$0x2];
	[bflag:$0x3] =	sbarrier.arrive $0xFFFF;
	s2 =	simm.s32 @!p0 $0x1C03  }
0x78: {  	[timem:s3], [sflag:s2] =	dma.local @!p0 [hbm:s0], s1  }
0x79: {  	s0 =	simm.s32 @!p0 $0x3  }
0x7a: {  	_ =	swait.ge @!p0 [sflag:s0], s1  }
0x7b: {  	s1 =	ssub.s32 @!p0 $0x0, s1;
	[sflag:s0] =	ssyncset.done @!p0 $0x0  }
0x7c: {  	[sflag:s0] =	ssyncadd.s32 @!p0 s1  }
0x7d: {  	[bflag:$0x3] =	sbarrier.arrive $0xFFFF  }
0x7e: {  	_ =	shalt  }

// kernel: kernel.8.cloned.1.call-start
scs
__scs_entry_jumppad:
0x0: {  	(pc) =	sbr.rel $0x88, $3  }
0x1: {  	(tag) =	ssettag $0x0;
	lr =	simm.s32 $0x1  }
0x2: {  	[smem:$0x3F8C] =	sst lr;
	_ =	strace $0xD0000000  }
0x3: {  	_ = 	snop  }
0x4: {  	_ = 	snop  }
0x5: {  	_ = 	snop  }
0x6: {  	_ = 	snop  }
0x7: {  	_ = 	snop  }
__scs_overlays_trampoline_lowered:
0x8: {  	[smem:$0x3F9B] =	sst s0  }
0x9: {  	[smem:$0x3F9C] =	sst s1  }
0xa: {  	[smem:$0x3F9D] =	sst s2  }
0xb: {  	[smem:$0x3F9E] =	sst s3  }
0xc: {  	[smem:$0x3F9F] =	sst s4  }
0xd: {  	[smem:$0x3FA0] =	sst s5  }
0xe: {  	[smem:$0x3FA1] =	sst s6  }
0xf: {  	[smem:$0x3FA2] =	sst s7  }
0x10: {  	[smem:$0x3FA3] =	sst s8  }
0x11: {  	[smem:$0x3FA4] =	sst s9;
	s0 =	simm.s32 @!p0 $0x0  }
0x12: {  	s1 =	sld [smem:$0x3F8A];
	s0 =	simm.s32 @p0 $0x1  }
0x13: {  	[smem:$0x3FA5] =	sst s0;
	s0 =	simm.s32 @!p1 $0x0  }
0x14: {  	s2 =	sld [smem:$0x3F89];
	s0 =	simm.s32 @p1 $0x1  }
0x15: {  	[smem:$0x3FA6] =	sst s0;
	s0 =	simm.s32 @!p2 $0x0  }
0x16: {  	s3 =	sld [smem:$0x3FDB];
	s0 =	simm.s32 @p2 $0x1  }
0x17: {  	s4 =	simm.s32 $0x1BF5;
	[smem:$0x3FA8] =	sst s0  }
0x18: {  	s0 =	sld [smem:$0x3F8B];
	_ =	swait.ge [sflag:s4], $0x0  }
0x19: {  	s7 =	sld [smem:$0x3F8C]  }
0x1a: {  	s8 =	sadd.s32 $0xFFFFE003, lr  }
0x1b: {  	s9 =	sadd.s32 $0xFFFFFEF7, lr;
	s5 =	simm.s32 $0xFFFFFFFF;
	p2 =	slt.u32 s8, $0xFFFFF086  }
0x1c: {  	p1 =	slt.u32 s9, $0xF7A;
	s5 =	simm.s32 @!p2 $0x0  }
0x1d: {  	s5 =	simm.s32 @p1 $0x1;
	p0 =	seq.s32 s7, s2  }
0x1e: {  	s7 =	smul.u32 @!p0 $0xF7A, s2;
	p2 =	seq.s32 @!p0 s5, $0x0  }
0x1f: {  	s9 =	smul.u32 $0xF7A, s1;
	s8 =	simm.s32 @!p0 $0x1BF5;
	p2 =	por !p2, p0  }
0x20: {  	[sflag:s8] =	ssyncset.s32 @!p0 $0xFFFFF086;
	s6 =	sadd.s32 @!p0 s3, s7;
	s7 =	simm.s32 @!p0 $0x108  }
0x21: {  	s3 =	sadd.s32 s3, s9;
	s6 =	sadd.s32 @!p0 $0x88, s6;
	s7 =	simm.s32 @p2 $0x1082  }
0x22: {  	[simem:s7], [sflag:s8] =	dma.local @!p0 [hbm:s6], $0xF7A  }
0x23: {  	s9 =	sor.u32 $0xD0000000, s2;
	s6 =	simm.s32 $0x108;
	_ =	swait.ge @!p0 [sflag:s8], $0x0  }
0x24: {  	s3 =	sadd.s32 $0x88, s3;
	s6 =	simm.s32 @!p1 $0x1082;
	[sflag:s4] =	ssyncset.s32 $0xFFFFF086  }
0x25: {  	[simem:s6], [sflag:s4] =	dma.local [hbm:s3], $0xF7A  }
0x26: {  	[smem:$0x3F8C] =	sst s1;
	(tag) =	ssettag s2;
	_ =	strace s9  }
0x27: {  	s1 =	sld [smem:$0x3F9C]  }
0x28: {  	s2 =	sld [smem:$0x3F9D]  }
0x29: {  	s4 =	sld [smem:$0x3F9F]  }
0x2a: {  	p0 =	seq.s32 s5, $0x0;
	s5 =	sld [smem:$0x3FA0]  }
0x2b: {  	s6 =	sld [smem:$0x3FA1]  }
0x2c: {  	s7 =	sld [smem:$0x3FA2]  }
0x2d: {  	s3 =	simm.s32 $0x108;
	s8 =	sld [smem:$0x3FA3]  }
0x2e: {  	s3 =	simm.s32 @!p0 $0x1082;
	s9 =	sld [smem:$0x3FA4]  }
0x2f: {  	lr =	sadd.s32 s0, s3;
	s0 =	sld [smem:$0x3F9B]  }
0x30: {  	s3 =	sld [smem:$0x3F9E]  }
0x31: {  	[smem:$0x3FA7] =	sst s10  }
0x32: {  	s10 =	sld [smem:$0x3FA5];
	_ =	sdelay $0x3  }
0x33: {  	p0 =	seq.s32 s10, $0x1;
	s10 =	sld [smem:$0x3FA7];
	_ =	sdelay $0x3  }
0x34: {  	[smem:$0x3FA7] =	sst s10  }
0x35: {  	s10 =	sld [smem:$0x3FA6];
	_ =	sdelay $0x3  }
0x36: {  	p1 =	seq.s32 s10, $0x1;
	s10 =	sld [smem:$0x3FA7];
	_ =	sdelay $0x3  }
0x37: {  	[smem:$0x3FA7] =	sst s10  }
0x38: {  	s10 =	sld [smem:$0x3FA8]  }
0x39: {  	_ = 	snop;
	(pc) =	sbr.ind lr, $3  }
0x3a: {  	_ = 	snop  }
0x3b: {  	_ = 	snop  }
0x3c: {  	p2 =	seq.s32 s10, $0x1;
	s10 =	sld [smem:$0x3FA7]  }
0x3d: {  	_ =	shalt  }
0x3e: {  	_ =	shalt  }
0x3f: {  	_ =	shalt  }
0x40: {  	_ =	shalt  }
0x41: {  	_ =	shalt  }
0x42: {  	_ =	shalt  }
0x43: {  	_ =	shalt  }
0x44: {  	_ =	shalt  }
0x45: {  	_ =	shalt  }
0x46: {  	_ =	shalt  }
0x47: {  	_ =	shalt  }
0x48: {  	_ =	shalt  }
0x49: {  	_ =	shalt  }
0x4a: {  	_ =	shalt  }
0x4b: {  	_ =	shalt  }
0x4c: {  	_ =	shalt  }
0x4d: {  	_ =	shalt  }
0x4e: {  	_ =	shalt  }
0x4f: {  	_ =	shalt  }
0x50: {  	_ =	shalt  }
0x51: {  	_ =	shalt  }
0x52: {  	_ =	shalt  }
0x53: {  	_ =	shalt  }
0x54: {  	_ =	shalt  }
0x55: {  	_ =	shalt  }
0x56: {  	_ =	shalt  }
0x57: {  	_ =	shalt  }
0x58: {  	_ =	shalt  }
0x59: {  	_ =	shalt  }
0x5a: {  	_ =	shalt  }
0x5b: {  	_ =	shalt  }
0x5c: {  	_ =	shalt  }
0x5d: {  	_ =	shalt  }
0x5e: {  	_ =	shalt  }
0x5f: {  	_ =	shalt  }
0x60: {  	_ =	shalt  }
0x61: {  	_ =	shalt  }
0x62: {  	_ =	shalt  }
0x63: {  	_ =	shalt  }
0x64: {  	_ =	shalt  }
0x65: {  	_ =	shalt  }
0x66: {  	_ =	shalt  }
0x67: {  	_ =	shalt  }
0x68: {  	_ =	shalt  }
0x69: {  	_ =	shalt  }
0x6a: {  	_ =	shalt  }
0x6b: {  	_ =	shalt  }
0x6c: {  	_ =	shalt  }
0x6d: {  	_ =	shalt  }
0x6e: {  	_ =	shalt  }
0x6f: {  	_ =	shalt  }
0x70: {  	_ =	shalt  }
0x71: {  	_ =	shalt  }
0x72: {  	_ =	shalt  }
0x73: {  	_ =	shalt  }
0x74: {  	_ =	shalt  }
0x75: {  	_ =	shalt  }
0x76: {  	_ =	shalt  }
0x77: {  	_ =	shalt  }
0x78: {  	_ =	shalt  }
0x79: {  	_ =	shalt  }
0x7a: {  	_ =	shalt  }
0x7b: {  	_ =	shalt  }
0x7c: {  	_ =	shalt  }
0x7d: {  	_ =	shalt  }
0x7e: {  	_ =	shalt  }
0x7f: {  	_ =	shalt  }
0x80: {  	_ =	shalt  }
0x81: {  	_ =	shalt  }
0x82: {  	_ =	shalt  }
0x83: {  	_ =	shalt  }
0x84: {  	_ =	shalt  }
0x85: {  	_ =	shalt  }
0x86: {  	_ =	shalt  }
0x87: {  	_ =	shalt  }
.Lfunc_end0:
.L_simem_size_0:
called_computation_lowered:
.L_overlay_start_0:
0x88: {  	s2 =	sld [smem:$0x3FD9]  }
0x89: {  	s3 =	sld [smem:$0x3FFE];
	_ =	sdelay $0x1  }
0x8a: {  	s1 =	srdreg.scid  }
0x8b: {  	s0 =	sand.u32 $0x1, s1  }
0x8c: {  	s16 =	sshll.u32 s0, $0xA;
	s2 =	sadd.s32 s3, s2  }
0x8d: {  	s2 =	sadd.s32 s2, s16  }
0x8e: {  	[smem:$0x3FB3] =	sst s2  }
0x8f: {  	_ = 	snop  }
0x90: {  	(tm) =	ssettm $0x1  }
0x91: {  	s17 =	sld [smem:$0x3FFB];
	_ =	sdelay $0x3  }
0x92: {  	_ =	strace s17  }
0x93: {  	s2 =	sld [smem:$0x3FFC];
	_ =	sdelay $0x3  }
0x94: {  	_ =	strace s2  }
0x95: {  	s2 =	sld [smem:$0x3FFD];
	_ =	sdelay $0x3  }
0x96: {  	_ =	strace s2  }
0x97: {  	_ =	strace $0x8FFFFFFF  }
0x98: {  	s18 =	sld [smem:$0x3FDB];
	_ =	sdelay $0x1  }
0x99: {  	s19 =	simm.s32 $_scs_section_size  }
0x9a: {  	s4 =	simm.s32 $_size__tile_overlayer_lowered;
	s5 =	simm.s32 $_tile_overlayer_lowered  }
0x9b: {  	s22 =	simm.s32 $0x1BFF;
	s21 =	sshll.u32 s5, $0x1;
	s2 =	sadd.s32 s19, s18  }
0x9c: {  	s6 =	simm.s32 $0x0;
	s20 =	sshll.u32 s4, $0x1;
	s4 =	sadd.s32 s21, s2  }
0x9d: {  	[timem:s6], [sflag:s22] =	dma.local [hbm:s4], s20  }
0x9e: {  	_ =	swait.ge [sflag:s22], s20  }
0x9f: {  	s3 =	ssub.s32 $0x0, s20;
	[sflag:s22] =	ssyncset.done $0x0  }
0xa0: {  	[sflag:s22] =	ssyncadd.s32 s3;
	_ =	sdelay $0x1  }
0xa1: {  	s23 =	simm.s32 $0x1B8B  }
0xa2: {  	_ =	swait.ge [sflag:s23], $0x1  }
0xa3: {  	[sflag:s23] =	ssyncset.done $0x0  }
0xa4: {  	s25 =	simm.s32 $0x1B8E;
	s24 =	sld [smem:$0x3FFE];
	[sflag:s23] =	ssyncadd.s32 $0xFFFFFFFF  }
0xa5: {  	s26 =	simm.s32 $execute0_lowered;
	[smem:$0x3FD2] =	sst s25  }
0xa6: {  	s4 =	sshll.u32 s26, $0x1;
	_ =	strace $0x80000046;
	[dreg:$0x1] =	wrdreg $0xFFFFFFFF  }
0xa7: {  	s28 =	simm.s32 $_size_execute0_lowered;
	s2 =	sadd.s32 s2, s4;
	[dreg:$0x0] =	wrdreg $0x0  }
0xa8: {  	s4 =	sshll.u32 s28, $0x1;
	[dreg:$0x2] =	wrdreg s2  }
0xa9: {  	[dreg:$0x3] =	wrdreg s4  }
0xaa: {  	[dreg:$0x4] =	wrdreg $0xC0  }
0xab: {  	_ =	task [dreg:s6], $0x5FFFF  }
0xac: {  	[dreg:$0x1] =	wrdreg $0xFFFFFFFF  }
0xad: {  	[dreg:$0x0] =	wrdreg $0x60  }
0xae: {  	[dreg:$0x2] =	wrdreg s24  }
0xaf: {  	[dreg:$0x3] =	wrdreg $0x9  }
0xb0: {  	_ =	task.clear_ibuf [dreg:s6], $0x4FFFF;
	_ =	strace $0x90000046  }
0xb1: {  	s29 =	simm.s32 $0x9;
	_ =	strace $0x80000048  }
0xb2: {  	_ =	swait.ge [sflag:s29], $0x1  }
0xb3: {  	[sflag:s29] =	ssyncadd.s32 $0xFFFFFFFF  }
0xb4: {  	_ =	strace $0x90000048  }
0xb5: {  	_ =	sfence  }
0xb6: {  	s30 =	sld [smem:$0x0];
	_ =	sdelay $0x2  }
0xb7: {  	s31 =	sshll.u32 s1, $0xD;
	s1 =	sshrl.u32 s1, $0x2  }
0xb8: {  	s3 =	sand.u32 $0x4000, s31;
	s1 =	sadd.s32 s1, s30  }
0xb9: {  	s0 =	sor.u32 s3, s0;
	s1 =	sshll.u32 s1, $0x11  }
0xba: {  	s0 =	sor.u32 s1, s0  }
0xbb: {  	s0 =	sadd.s32 $0x8F2B, s0  }
0xbc: {  	[sflag:s0] =	ssyncadd.remote.s32 $0x1  }
0xbd: {  	_ =	sfence.sel $0xFFFF  }
0xbe: {  	[dreg:$0x0] =	wrdreg $0xFFFFFFFF;
	(pc) =	sbr.abs _section_cstart, $3  }
0xbf: {  	[dreg:$0x1] =	wrdreg $0xFFFFFFFF  }
0xc0: {  	_ =	task.clear_ibuf [dreg:s6], $0x2FFFF;
	_ =	strace $0x9FFFFFFF  }
0xc1: {  	(tm) =	ssettm $0x7FFFFFFF  }
tec
execute0_lowered:
.L_overlay_start_1:
0x0: {  	(tag) =	ssettag $0x1  }
0x1: {  	s0 =	srdreg.scid  }
0x2: {  	s6 =	rddreg [dreg:$0x0];
	s1 =	stileid.u32;
	s2 =	simm.s32 $0x0  }
0x3: {  	s12 =	simm.s32 $0x1;
	s13 =	simm.s32 $0x2780;
	s14 =	simm.s32 $0x4F00  }
0x4: {  	s15 =	simm.s32 $0x7680;
	s16 =	simm.s32 $0x9E80;
	s4 =	sand.u32 $0x1, s0  }
0x5: {  	s17 =	simm.s32 $0xC680;
	s18 =	simm.s32 $0xEE80;
	s3 =	sshll.u32 s4, $0x4  }
0x6: {  	s19 =	simm.s32 $0x11680;
	s20 =	simm.s32 $0x0;
	s3 =	sor.u32 s1, s3  }
0x7: {  	[smem:$0x7FF] =	sst s2;
	s7 =	ssub.s32 $0x2, s4;
	s5 =	smul.u32 $0x2800, s3  }
0x8: {  	s0 =	rddreg [dreg:$0x1];
	_ =	strace $0x80000047;
	s9 =	sshrl.u32 s7, $0x1  }
0x9: {  	s4 =	sadd.s32 $0x18400, s6;
	s11 =	ssub.s32 s7, s9;
	s8 =	sshrl.u32 s5, $0x3  }
0xa: {  	s3 =	sadd.s32 $0x18A00, s6;
	s11 =	smax.u32 s11, $0x1;
	s10 =	sadd.s32 s8, s6  }
0xb: {  	s5 =	sadd.s32 $0x17E00, s6;
	s6 =	sadd.s32 $0xDE00, s10;
	s7 =	sadd.s32 $0x3E00, s10  }
0xc: {  	s8 =	sadd.s32 $0x19000, s10;
	s9 =	sadd.s32 $0x23000, s10;
	s10 =	sadd.s32 $0x2D000, s10  }
.LBB2_1:
0xd: {  	[tilespmem:s2], [sflag:$0x1] =	stream.linear.gather [hbm4b:s3+s2], $0x2780, $0x38;
	[tilespmem:$0x13E80] =	vst v63  }
0xe: {  	_ =	swait.ge [sflag:s12], $0x2780  }
0xf: {  	[sflag:s12] =	ssyncset.done $0x0  }
0x10: {  	[sflag:s12] =	ssyncadd.s32 $0xFFFFD880  }
0x11: {  	[tilespmem:s13], [sflag:$0x1] =	stream.linear.gather [hbm4b:s4+s2], $0x2780, $0x38;
	[tilespmem:$0x13E80] =	vst v63  }
0x12: {  	_ =	swait.ge [sflag:s12], $0x2780  }
0x13: {  	[sflag:s12] =	ssyncset.done $0x0  }
0x14: {  	[sflag:s12] =	ssyncadd.s32 $0xFFFFD880  }
0x15: {  	[tilespmem:s14], [sflag:$0x1] =	stream.linear.gather [hbm4b:s5+s2], $0x2780, $0x38;
	[tilespmem:$0x13E80] =	vst v63  }
0x16: {  	_ =	swait.ge [sflag:s12], $0x2780  }
0x17: {  	[sflag:s12] =	ssyncset.done $0x0  }
0x18: {  	[sflag:s12] =	ssyncadd.s32 $0xFFFFD880  }
0x19: {  	[tilespmem:s15], [sflag:$0x1] =	stream.linear.gather [hbm4b:s6+s2], $0x2800, $0x38;
	[tilespmem:$0x13E80] =	vst v63  }
0x1a: {  	_ =	swait.ge [sflag:s12], $0x2800  }
0x1b: {  	[sflag:s12] =	ssyncset.done $0x0  }
0x1c: {  	[sflag:s12] =	ssyncadd.s32 $0xFFFFD800  }
0x1d: {  	[tilespmem:s16], [sflag:$0x1] =	stream.linear.gather [hbm4b:s7+s2], $0x2800, $0x38;
	[tilespmem:$0x13E80] =	vst v63  }
0x1e: {  	_ =	swait.ge [sflag:s12], $0x2800  }
0x1f: {  	[sflag:s12] =	ssyncset.done $0x0  }
0x20: {  	s21 =	simm.s32 $0x0;
	[sflag:s12] =	ssyncadd.s32 $0xFFFFD800  }
0x21: {  	v0 =	vld [tilespmem:s21+$0x7680]  }
0x22: {  	v1 =	vld [tilespmem:s21+$0x9E80];
	_ =	sdelay $0x6  }
0x23: {  	v2 =	vld.idx.msk [tilespmem:v0+s2+$0x0], $0xffff  }
0x24: {  	v3 =	vld.idx.msk [tilespmem:v1+s2+$0x0], $0xffff;
	_ =	sdelay $0x4  }
0x25: {  	v2 =	vsub.f32 v2, v3;
	_ =	sdelay $0x1  }
0x26: {  	[tilespmem:s21+$0xC680] =	vst v2  }
0x27: {  	v2 =	vld.idx.msk [tilespmem:v0+s13+$0x0], $0xffff  }
0x28: {  	v3 =	vld.idx.msk [tilespmem:v1+s13+$0x0], $0xffff;
	_ =	sdelay $0x4  }
0x29: {  	v2 =	vsub.f32 v2, v3;
	_ =	sdelay $0x1  }
0x2a: {  	[tilespmem:s21+$0xEE80] =	vst v2  }
0x2b: {  	v2 =	vld.idx.msk [tilespmem:v0+s14+$0x0], $0xffff  }
0x2c: {  	s23 =	simm.s32 $0x10;
	v3 =	vld.idx.msk [tilespmem:v1+s14+$0x0], $0xffff  }
0x2d: {  	v0 =	vld [tilespmem:s23+$0x7680]  }
0x2e: {  	s22 =	simm.s32 $0x80;
	v1 =	vld [tilespmem:s23+$0x9E80]  }
.LBB2_2:
0x2f: {  	_ =	sdelay $0x1  }
0x30: {  	p0 =	sne.s32 s22, $0x9FC0;
	s24 =	smov.u32 s22;
	s22 =	sadd.s32 $0x40, s22  }
0x31: {  	v2 =	vsub.f32 v2, v3;
	_ =	sdelay $0x1  }
0x32: {  	[tilespmem:s21+$0x11680] =	vst v2;
	s21 =	smov.u32 s23  }
0x33: {  	v2 =	vld.idx.msk [tilespmem:v0+s2+$0x0], $0xffff  }
0x34: {  	v3 =	vld.idx.msk [tilespmem:v1+s2+$0x0], $0xffff;
	_ =	sdelay $0x5  }
0x35: {  	v2 =	vsub.f32 v2, v3;
	_ =	sdelay $0x1  }
0x36: {  	[tilespmem:s21+$0xC680] =	vst v2  }
0x37: {  	v2 =	vld.idx.msk [tilespmem:v0+s13+$0x0], $0xffff  }
0x38: {  	v3 =	vld.idx.msk [tilespmem:v1+s13+$0x0], $0xffff;
	_ =	sdelay $0x5  }
0x39: {  	v2 =	vsub.f32 v2, v3;
	_ =	sdelay $0x1  }
.Ltmp0:
0x3a: {  	[tilespmem:s21+$0xEE80] =	vst v2;
	(pc) =	sbr.rel @p0 .LBB2_2-.Ltmp0, $4  }
0x3b: {  	v2 =	vld.idx.msk [tilespmem:v0+s14+$0x0], $0xffff  }
0x3c: {  	s23 =	sshra.s32 s24, $0x2;
	v3 =	vld.idx.msk [tilespmem:v1+s14+$0x0], $0xffff  }
0x3d: {  	v0 =	vld [tilespmem:s23+$0x7680]  }
0x3e: {  	v1 =	vld [tilespmem:s23+$0x9E80]  }
0x3f: {  	_ =	sdelay $0x3  }
0x40: {  	v2 =	vsub.f32 v2, v3;
	_ =	sdelay $0x1  }
0x41: {  	[tilespmem:s21+$0x11680] =	vst v2  }
0x42: {  	v2 =	vld.idx.msk [tilespmem:v0+s2+$0x0], $0xffff  }
0x43: {  	v60 =	vld.idx.msk [tilespmem:v1+s2+$0x0], $0xffff;
	_ =	sdelay $0x4  }
0x44: {  	v2 =	vsub.f32 v2, v60;
	_ =	sdelay $0x1  }
0x45: {  	[tilespmem:s23+$0xC680] =	vst v2  }
0x46: {  	v2 =	vld.idx.msk [tilespmem:v0+s13+$0x0], $0xffff  }
0x47: {  	v61 =	vld.idx.msk [tilespmem:v1+s13+$0x0], $0xffff;
	_ =	sdelay $0x4  }
0x48: {  	v2 =	vsub.f32 v2, v61;
	_ =	sdelay $0x1  }
0x49: {  	[tilespmem:s23+$0xEE80] =	vst v2  }
0x4a: {  	v62 =	vld.idx.msk [tilespmem:v0+s14+$0x0], $0xffff  }
0x4b: {  	v63 =	vld.idx.msk [tilespmem:v1+s14+$0x0], $0xffff;
	_ =	sdelay $0x4  }
0x4c: {  	v0 =	vsub.f32 v62, v63;
	_ =	sdelay $0x1  }
0x4d: {  	[tilespmem:s23+$0x11680] =	vst v0  }
0x4e: {  	[hbm4b:s8+s2] =	stream.linear.scatter [tilespmem:s17], [sflag:$0x1], $0x2800, $0x38;
	[tilespmem:$0x13E80] =	vst v63  }
0x4f: {  	_ =	swait.ge [sflag:s12], $0x2800  }
0x50: {  	[sflag:s12] =	ssyncset.done $0x0  }
0x51: {  	[sflag:s12] =	ssyncadd.s32 $0xFFFFD800  }
0x52: {  	[hbm4b:s9+s2] =	stream.linear.scatter [tilespmem:s18], [sflag:$0x1], $0x2800, $0x38;
	[tilespmem:$0x13E80] =	vst v63  }
0x53: {  	s20 =	sadd.s32 $0x1, s20;
	_ =	swait.ge [sflag:s12], $0x2800  }
0x54: {  	p0 =	sne.s32 s20, s11;
	[sflag:s12] =	ssyncset.done $0x0  }
.Ltmp1:
0x55: {  	[sflag:s12] =	ssyncadd.s32 $0xFFFFD800;
	(pc) =	sbr.rel @p0 .LBB2_1-.Ltmp1, $4  }
0x56: {  	[hbm4b:s10+s2] =	stream.linear.scatter [tilespmem:s19], [sflag:$0x1], $0x2800, $0x38;
	[tilespmem:$0x13E80] =	vst v63  }
0x57: {  	_ =	swait.ge [sflag:s12], $0x2800  }
0x58: {  	[sflag:s12] =	ssyncset.done $0x0  }
0x59: {  	[sflag:s12] =	ssyncadd.s32 $0xFFFFD800  }
0x5a: {  	_ =	sfence.sel $0x180000  }
0x5b: {  	[bflag:$0x0] =	sbarrier.arrive $0xFFFF  }
0x5c: {  	p0 =	sne.s32 s1, $0x0;
	_ =	strace $0x90000047  }
0x5d: {  	s0 =	sadd.s32 @!p0 $0x100000, s0;
	[bflag:$0x2] =	sbarrier.arrive $0xFFFF  }
0x5e: {  	[sflag:s0] =	ssyncadd.tile.s32 @!p0 $0x1;
	_ =	shalt  }
.Lfunc_end2:
_tile_overlayer_lowered:
.L_overlay_start_2:
0x5f: {  	(tag) =	ssettag $0x2  }
0x60: {  	s0 =	rddreg [dreg:$0x0];
	s2 =	stileid.u32  }
0x61: {  	s1 =	rddreg [dreg:$0x1];
	p0 =	sne.s32 s2, $0x0  }
0x62: {  	s3 =	rddreg [dreg:$0x2];
	[bflag:$0x3] =	sbarrier.arrive $0xFFFF;
	s2 =	simm.s32 @!p0 $0x1C01  }
0x63: {  	[timem:s3], [sflag:s2] =	dma.local @!p0 [hbm:s0], s1  }
0x64: {  	s0 =	simm.s32 @!p0 $0x1  }
0x65: {  	_ =	swait.ge @!p0 [sflag:s0], s1  }
0x66: {  	s1 =	ssub.s32 @!p0 $0x0, s1;
	[sflag:s0] =	ssyncset.done @!p0 $0x0  }
0x67: {  	[sflag:s0] =	ssyncadd.s32 @!p0 s1  }
0x68: {  	[bflag:$0x3] =	sbarrier.arrive $0xFFFF  }
0x69: {  	_ =	shalt  }

</sc_bundles>
